<compile_context>
chip_gen: v7x
topology: tpu7x:2x2x1
jax: 0.10.2.dev20260603
libtpu: 0.0.44.dev20260713+nightly
codegen_flags: <defaults>
</compile_context>

<pallas_src>
import functools

import jax
import jax.numpy as jnp
from jax import lax
from jax.experimental import pallas as pl
from jax.experimental.pallas import tpu as pltpu
from jax.experimental.pallas import tpu_sc as plsc

NUM_SC = 2
NUM_TEC = 16
N_TILES = NUM_SC * NUM_TEC
CH = 40
NB = 2



def _xa_body(x_ref, w_ref, o_ref):
    o_ref[...] = jnp.dot(x_ref[...], w_ref[...], preferred_element_type=jnp.float32)


def _msg_body(gx_ref, ea_ref, ts_ref, We1_ref, be1_ref, We2_ref, be2_ref,
              Wt_ref, bt_ref, Wn1b_ref, bn1_ref, Wn2_ref, bn2_ref, msg_ref):
    h = jnp.maximum(
        jnp.dot(ea_ref[...], We1_ref[...], preferred_element_type=jnp.float32)
        + be1_ref[...], 0.0)
    ef = jnp.dot(h, We2_ref[...], preferred_element_type=jnp.float32) + be2_ref[...]
    z = ts_ref[...] * Wt_ref[...] + bt_ref[...]
    ef = ef * (1.0 / (1.0 + jnp.exp(-z)))
    pre = (gx_ref[...]
           + jnp.dot(ef.astype(jnp.bfloat16), Wn1b_ref[...],
                     preferred_element_type=jnp.float32)
           + bn1_ref[...])
    msg_ref[...] = (jnp.dot(jnp.maximum(pre, 0.0).astype(jnp.bfloat16),
                            Wn2_ref[...],
                            preferred_element_type=jnp.float32) + bn2_ref[...])


def _combine_body(*refs):
    o_ref = refs[-1]
    x_ref = refs[-2]
    tot = x_ref[...]
    for acc_ref in refs[:-2]:
        tot = tot + acc_ref[0] + acc_ref[1]
    o_ref[...] = tot



def _make_gather(N, D, E):
    per_tile = E // (N_TILES * CH)
    NP2 = 10240
    rows_st = NP2 // NUM_TEC
    mesh = plsc.VectorSubcoreMesh(core_axis_name="c", subcore_axis_name="s")

    @functools.partial(
        pl.kernel,
        out_type=jax.ShapeDtypeStruct((E, D), jnp.float32),
        mesh=mesh,
        scratch_types=[
            pltpu.VMEM((per_tile, CH), jnp.int32),
            pltpu.VMEM((NB, CH, D), jnp.float32),
            pltpu.VMEM_SHARED((NP2, D), jnp.float32),
            pltpu.SemaphoreType.DMA((NB,)),
            pltpu.SemaphoreType.DMA((NB,)),
        ],
    )
    def gather_k(xa_hbm, rows_hbm, gx_hbm, idx_v, buf_v, xa_sh, gsem, wsem):
        c = lax.axis_index("c")
        s = lax.axis_index("s")
        w = c * NUM_TEC + s
        chunk0 = w * per_tile

        r0 = s * rows_st
        last_full = N // rows_st
        rem = N - last_full * rows_st

        @pl.when(s < last_full)
        def _():
            pltpu.sync_copy(xa_hbm.at[pl.ds(r0, rows_st)],
                            xa_sh.at[pl.ds(r0, rows_st)])

        if rem:
            @pl.when(s == last_full)
            def _():
                pltpu.sync_copy(xa_hbm.at[pl.ds(last_full * rows_st, rem)],
                                xa_sh.at[pl.ds(last_full * rows_st, rem)])

        pltpu.sync_copy(rows_hbm.at[w], idx_v)
        plsc.subcore_barrier()

        for b in range(NB):
            pltpu.async_copy(xa_sh.at[idx_v.at[b]], buf_v.at[b], gsem.at[b])

        def group(g, carry):
            for b in range(NB):
                ci = g * NB + b
                pltpu.make_async_copy(
                    xa_sh.at[idx_v.at[ci]], buf_v.at[b], gsem.at[b]).wait()
                dst = gx_hbm.at[pl.ds((chunk0 + ci) * CH, CH)]
                pltpu.async_copy(buf_v.at[b], dst, wsem.at[b])
                pltpu.make_async_copy(buf_v.at[b], dst, wsem.at[b]).wait()
                nxt = ci + NB

                @pl.when(nxt < per_tile)
                def _():
                    pltpu.async_copy(
                        xa_sh.at[idx_v.at[nxt]], buf_v.at[b], gsem.at[b])

            return carry

        lax.fori_loop(0, per_tile // NB, group, 0)

    return gather_k


def _make_scatter(N, D, E, NP):
    per_tile = E // (N_TILES * CH)
    rows_nt = NP // NUM_TEC
    wb = 128
    nbs = 2
    mesh = plsc.VectorSubcoreMesh(core_axis_name="c", subcore_axis_name="s")

    @functools.partial(
        pl.kernel,
        out_type=jax.ShapeDtypeStruct((NUM_SC, NP, D), jnp.float32),
        mesh=mesh,
        scratch_types=[
            pltpu.VMEM((per_tile, CH), jnp.int32),
            pltpu.VMEM((nbs, CH, D), jnp.float32),
            pltpu.VMEM_SHARED((NP, D), jnp.float32),
            pltpu.SemaphoreType.DMA((nbs,)),
        ],
    )
    def scatter_k(msg_hbm, cols_hbm, z_hbm, acc_hbm, col_v, buf_v,
                  acc_sh, lsem):
        c = lax.axis_index("c")
        s = lax.axis_index("s")

        def zbody(k, carry):
            pltpu.sync_copy(z_hbm, acc_sh.at[pl.ds(s * rows_nt + k * wb, wb)])
            return carry

        lax.fori_loop(0, rows_nt // wb, zbody, 0)

        w = c * NUM_TEC + s
        chunk0 = w * per_tile
        pltpu.sync_copy(cols_hbm.at[w], col_v)
        plsc.subcore_barrier()

        for b in range(nbs):
            src = msg_hbm.at[pl.ds((chunk0 + b) * CH, CH)]
            pltpu.async_copy(src, buf_v.at[b], lsem.at[b])

        def group(g, carry):
            for b in range(nbs):
                ci = g * nbs + b
                src = msg_hbm.at[pl.ds((chunk0 + ci) * CH, CH)]
                pltpu.make_async_copy(src, buf_v.at[b], lsem.at[b]).wait()
                pltpu.sync_copy(buf_v.at[b], acc_sh.at[col_v.at[ci]], add=True)
                nxt = ci + nbs

                @pl.when(nxt < per_tile)
                def _():
                    pltpu.async_copy(
                        msg_hbm.at[pl.ds((chunk0 + nxt) * CH, CH)],
                        buf_v.at[b], lsem.at[b])

            return carry

        lax.fori_loop(0, per_tile // nbs, group, 0)
        for ci in range((per_tile // nbs) * nbs, per_tile):
            b = ci % nbs
            src = msg_hbm.at[pl.ds((chunk0 + ci) * CH, CH)]
            pltpu.make_async_copy(src, buf_v.at[b], lsem.at[b]).wait()
            pltpu.sync_copy(buf_v.at[b], acc_sh.at[col_v.at[ci]], add=True)
        plsc.subcore_barrier()

        def wbody(k, carry):
            r0 = s * rows_nt + k * wb
            pltpu.sync_copy(acc_sh.at[pl.ds(r0, wb)], acc_hbm.at[c, pl.ds(r0, wb)])
            return carry

        lax.fori_loop(0, rows_nt // wb, wbody, 0)

    return scatter_k



def kernel(x, edge_index, edge_attr, timestamps,
           We1, be1, We2, be2, Wn1, bn1, Wn2, bn2, Wt, bt):
    N, D = x.shape
    E, DE = edge_attr.shape
    K = 1
    Ek = E // K
    per_tile = Ek // (N_TILES * CH)
    NP = 10240
    row = edge_index[0].reshape(K, N_TILES, per_tile, CH)
    col = edge_index[1].reshape(K, N_TILES, per_tile, CH)
    ts2 = timestamps.reshape(E, 1)
    Wn1a = Wn1[:D]
    Wn1b = Wn1[D:].astype(jnp.bfloat16)
    Wn2b = Wn2.astype(jnp.bfloat16)
    H = We1.shape[1]

    BN = 1000
    xa = pl.pallas_call(
        _xa_body,
        grid=(N // BN,),
        in_specs=[
            pl.BlockSpec((BN, D), lambda i: (i, 0)),
            pl.BlockSpec((D, D), lambda i: (0, 0)),
        ],
        out_specs=pl.BlockSpec((BN, D), lambda i: (i, 0)),
        out_shape=jax.ShapeDtypeStruct((N, D), jnp.float32),
    )(x, Wn1a)

    gather_k = _make_gather(N, D, Ek)
    scatter_k = _make_scatter(N, D, Ek, NP)
    zeros = jnp.zeros((128, D), jnp.float32)

    BE = 1280
    full = lambda a: pl.BlockSpec(a.shape, lambda i: tuple(0 for _ in a.shape))
    msg_call = pl.pallas_call(
        _msg_body,
        grid=(Ek // BE,),
        in_specs=[
            pl.BlockSpec((BE, D), lambda i: (i, 0)),
            pl.BlockSpec((BE, DE), lambda i: (i, 0)),
            pl.BlockSpec((BE, 1), lambda i: (i, 0)),
            full(We1), full(be1.reshape(1, H)),
            full(We2), full(be2.reshape(1, D)),
            full(Wt), full(bt.reshape(1, D)),
            full(Wn1b), full(bn1.reshape(1, D)),
            full(Wn2), full(bn2.reshape(1, D)),
        ],
        out_specs=pl.BlockSpec((BE, D), lambda i: (i, 0)),
        out_shape=jax.ShapeDtypeStruct((Ek, D), jnp.float32),
    )

    accs = []
    for k in range(K):
        gx = gather_k(xa, row[k])
        msg = msg_call(
            gx, lax.dynamic_slice_in_dim(edge_attr, k * Ek, Ek),
            lax.dynamic_slice_in_dim(ts2, k * Ek, Ek),
            We1, be1.reshape(1, H), We2, be2.reshape(1, D),
            Wt, bt.reshape(1, D), Wn1b, bn1.reshape(1, D),
            Wn2b, bn2.reshape(1, D))
        accs.append(scatter_k(msg, col[k], zeros))

    out = pl.pallas_call(
        _combine_body,
        grid=(N // BN,),
        in_specs=[pl.BlockSpec((NUM_SC, BN, D), lambda i: (0, i, 0))
                  for _ in range(K)]
        + [pl.BlockSpec((BN, D), lambda i: (i, 0))],
        out_specs=pl.BlockSpec((BN, D), lambda i: (i, 0)),
        out_shape=jax.ShapeDtypeStruct((N, D), jnp.float32),
    )(*accs, x)
    return out

# --- scband reference (transcript-rebuilt; emitter-appended) ---
"""Pipeline reference for scband-temporal-edge-conv-7112465842373 (READ-ONLY COPY).

The authoritative reference and input builder live on the scoring server;
editing this copy changes nothing except your own understanding.
"""

import jax, jax.numpy as jnp
import numpy as np

N = 10000
E = 320000
D = 128
DE = 16

def setup_inputs(seed: int = 0) -> dict:
    key = jax.random.key(seed)
    ks = jax.random.split(key, 10)
    s = 0.02
    inp = {}
    inp["x"] = jax.random.normal(ks[0], (N, D), dtype=jnp.float32)
    inp["edge_index"] = jax.random.randint(ks[1], (2, E), 0, N, dtype=jnp.int32)
    inp["edge_attr"] = jax.random.normal(ks[2], (E, DE), dtype=jnp.float32)
    inp["timestamps"] = jax.random.uniform(ks[3], (E,), dtype=jnp.float32)
    # edge_encoder: Linear(DE, 2*DE) -> ReLU -> Linear(2*DE, D) (dropout = identity in eval)
    inp["We1"] = s * jax.random.normal(ks[4], (DE, 2 * DE), dtype=jnp.float32)
    inp["be1"] = jnp.zeros((2 * DE,), dtype=jnp.float32)
    inp["We2"] = s * jax.random.normal(ks[5], (2 * DE, D), dtype=jnp.float32)
    inp["be2"] = jnp.zeros((D,), dtype=jnp.float32)
    # node_encoder: Linear(2*D, D) -> ReLU -> Linear(D, D)
    inp["Wn1"] = s * jax.random.normal(ks[6], (2 * D, D), dtype=jnp.float32)
    inp["bn1"] = jnp.zeros((D,), dtype=jnp.float32)
    inp["Wn2"] = s * jax.random.normal(ks[7], (D, D), dtype=jnp.float32)
    inp["bn2"] = jnp.zeros((D,), dtype=jnp.float32)
    # time_attention: Linear(1, D) -> Sigmoid
    inp["Wt"] = s * jax.random.normal(ks[8], (1, D), dtype=jnp.float32)
    inp["bt"] = jnp.zeros((D,), dtype=jnp.float32)
    return inp

def reference(x, edge_index, edge_attr, timestamps, We1, be1, We2, be2, Wn1, bn1, Wn2, bn2, Wt, bt):
    ts = timestamps.reshape(-1, 1)
    # edge_encoder(edge_attr)
    ef = jnp.dot(jax.nn.relu(jnp.dot(edge_attr, We1) + be1), We2) + be2
    # time_attention(timestamps)
    tw = jax.nn.sigmoid(jnp.dot(ts, Wt) + bt)
    ef = ef * tw
    row = edge_index[0]
    col = edge_index[1]
    # vectorized form of the per-edge loop: gather source features, concat edge features,
    # run node_encoder on each message, then scatter-add into destination nodes.
    src = jnp.take(x, row, axis=0)
    combined = jnp.concatenate([src, ef], axis=1)
    msg = jnp.dot(jax.nn.relu(jnp.dot(combined, Wn1) + bn1), Wn2) + bn2
    out = jnp.zeros_like(x).at[col].add(msg)
    return out + x

if __name__ == "__main__":
    import jax
    _d = setup_inputs()
    print(jax.jit(kernel)(*tuple(_d.values())))

</pallas_src>

<mosaic_0001>
#map = affine_map<(d0, d1) -> (0, 0)>
#map1 = affine_map<(d0, d1) -> (0, 0, 0)>
module attributes {stable_mosaic.version = 14 : i64} {
  func.func @gather_k(%arg0: i32, %arg1: i32, %arg2: memref<10000x128xf32, #tpu.memory_space<hbm>>, %arg3: memref<32x250x40xi32, #tpu.memory_space<hbm>>, %arg4: memref<320000x128xf32, #tpu.memory_space<hbm>>, %arg5: memref<250x40xi32, #tpu.memory_space<vmem>>, %arg6: memref<2x40x128xf32, #tpu.memory_space<vmem>>, %arg7: memref<10240x128xf32, #tpu.memory_space<vmem_shared>>, %arg8: memref<2x!tpu.dma_semaphore, #tpu.memory_space<semaphore_mem>>, %arg9: memref<2x!tpu.dma_semaphore, #tpu.memory_space<semaphore_mem>>) attributes {dimension_semantics = [#tpu.dimension_semantics<core_parallel>, #tpu.dimension_semantics<subcore_parallel>], iteration_bounds = array<i64: 2, 16>, scalar_prefetch = 0 : i64, scratch_operands = 5 : i64, tpu.core_type = #tpu.core_type<sc_vector_subcore>, window_params = [{transform_indices = #map}, {transform_indices = #map1}, {transform_indices = #map}]} {
    %mul3A = arith.constant 16 : i32
    %mul3A_0 = arith.muli %arg0, %mul3A : i32
    %add3A = arith.addi %mul3A_0, %arg1 : i32
    %mul3A_1 = arith.constant 250 : i32
    %mul3A_2 = arith.muli %add3A, %mul3A_1 : i32
    %mul3A_3 = arith.constant 640 : i32
    %mul3A_4 = arith.muli %arg1, %mul3A_3 : i32
    %lt3A = arith.constant 15 : i32
    %lt3A_5 = arith.cmpi slt, %arg1, %lt3A : i32
    %convert_element_type3A = arith.extui %lt3A_5 : i1 to i32
    %cond3A = arith.constant 0 : i32
    %cond3A_6 = arith.cmpi ne, %convert_element_type3A, %cond3A : i32
    scf.if %cond3A_6 {
      "tpu.region"() ({
        %run_scoped3A = tpu.sem_alloc : memref<!tpu.dma_semaphore, #tpu.memory_space<semaphore_mem>>
        %dma_start3A_45 = arith.constant 0 : i32
        %dma_start3A_46 = tpu.memref_slice %arg7[%mul3A_4, %dma_start3A_45] : memref<10240x128xf32, #tpu.memory_space<vmem_shared>> -> memref<640x128xf32, #tpu.memory_space<vmem_shared>>
        %dma_start3A_47 = arith.constant 0 : i32
        %dma_start3A_48 = tpu.memref_slice %arg2[%mul3A_4, %dma_start3A_47] : memref<10000x128xf32, #tpu.memory_space<hbm>> -> memref<640x128xf32, #tpu.memory_space<hbm>>
        tpu.enqueue_dma source(%dma_start3A_48 : memref<640x128xf32, #tpu.memory_space<hbm>>) target(%dma_start3A_46 : memref<640x128xf32, #tpu.memory_space<vmem_shared>>) target_semaphore(%run_scoped3A : memref<!tpu.dma_semaphore, #tpu.memory_space<semaphore_mem>>)
        %dma_wait3A = arith.constant 0 : i32
        %dma_wait3A_49 = tpu.memref_slice %arg7[%mul3A_4, %dma_wait3A] : memref<10240x128xf32, #tpu.memory_space<vmem_shared>> -> memref<640x128xf32, #tpu.memory_space<vmem_shared>>
        %dma_wait3A_50 = arith.constant 0 : i32
        %dma_wait3A_51 = tpu.memref_slice %arg2[%mul3A_4, %dma_wait3A_50] : memref<10000x128xf32, #tpu.memory_space<hbm>> -> memref<640x128xf32, #tpu.memory_space<hbm>>
        tpu.wait_dma2 semaphore(%run_scoped3A : memref<!tpu.dma_semaphore, #tpu.memory_space<semaphore_mem>>) src(%dma_wait3A_51 : memref<640x128xf32, #tpu.memory_space<hbm>>) dst(%dma_wait3A_49 : memref<640x128xf32, #tpu.memory_space<vmem_shared>>)
        tpu.yield
      }) : () -> ()
    } else {
    }
    %eq3A = arith.constant 15 : i32
    %eq3A_7 = arith.cmpi eq, %arg1, %eq3A : i32
    %convert_element_type3A_8 = arith.extui %eq3A_7 : i1 to i32
    %cond3A_9 = arith.constant 0 : i32
    %cond3A_10 = arith.cmpi ne, %convert_element_type3A_8, %cond3A_9 : i32
    scf.if %cond3A_10 {
      "tpu.region"() ({
        %run_scoped3A = tpu.sem_alloc : memref<!tpu.dma_semaphore, #tpu.memory_space<semaphore_mem>>
        %dma_start3A_45 = arith.constant 9600 : i32
        %dma_start3A_46 = arith.constant 0 : i32
        %dma_start3A_47 = tpu.memref_slice %arg7[%dma_start3A_45, %dma_start3A_46] : memref<10240x128xf32, #tpu.memory_space<vmem_shared>> -> memref<400x128xf32, #tpu.memory_space<vmem_shared>>
        %dma_start3A_48 = arith.constant 9600 : i32
        %dma_start3A_49 = arith.constant 0 : i32
        %dma_start3A_50 = tpu.memref_slice %arg2[%dma_start3A_48, %dma_start3A_49] : memref<10000x128xf32, #tpu.memory_space<hbm>> -> memref<400x128xf32, #tpu.memory_space<hbm>>
        tpu.enqueue_dma source(%dma_start3A_50 : memref<400x128xf32, #tpu.memory_space<hbm>>) target(%dma_start3A_47 : memref<400x128xf32, #tpu.memory_space<vmem_shared>>) target_semaphore(%run_scoped3A : memref<!tpu.dma_semaphore, #tpu.memory_space<semaphore_mem>>)
        %dma_wait3A = arith.constant 9600 : i32
        %dma_wait3A_51 = arith.constant 0 : i32
        %dma_wait3A_52 = tpu.memref_slice %arg7[%dma_wait3A, %dma_wait3A_51] : memref<10240x128xf32, #tpu.memory_space<vmem_shared>> -> memref<400x128xf32, #tpu.memory_space<vmem_shared>>
        %dma_wait3A_53 = arith.constant 9600 : i32
        %dma_wait3A_54 = arith.constant 0 : i32
        %dma_wait3A_55 = tpu.memref_slice %arg2[%dma_wait3A_53, %dma_wait3A_54] : memref<10000x128xf32, #tpu.memory_space<hbm>> -> memref<400x128xf32, #tpu.memory_space<hbm>>
        tpu.wait_dma2 semaphore(%run_scoped3A : memref<!tpu.dma_semaphore, #tpu.memory_space<semaphore_mem>>) src(%dma_wait3A_55 : memref<400x128xf32, #tpu.memory_space<hbm>>) dst(%dma_wait3A_52 : memref<400x128xf32, #tpu.memory_space<vmem_shared>>)
        tpu.yield
      }) : () -> ()
    } else {
    }
    "tpu.region"() ({
      %run_scoped3A = tpu.sem_alloc : memref<!tpu.dma_semaphore, #tpu.memory_space<semaphore_mem>>
      %dma_start3A_45 = arith.constant 0 : i32
      %dma_start3A_46 = arith.constant 0 : i32
      %dma_start3A_47 = tpu.memref_slice %arg3[%add3A, %dma_start3A_45, %dma_start3A_46] : memref<32x250x40xi32, #tpu.memory_space<hbm>> -> memref<1x250x40xi32, #tpu.memory_space<hbm>>
      %dma_start3A_48 = tpu.memref_squeeze %dma_start3A_47 : memref<1x250x40xi32, #tpu.memory_space<hbm>> -> memref<250x40xi32, #tpu.memory_space<hbm>>
      %dma_start3A_49 = arith.constant 0 : i32
      %dma_start3A_50 = arith.constant 0 : i32
      %dma_start3A_51 = tpu.memref_slice %arg3[%add3A, %dma_start3A_49, %dma_start3A_50] : memref<32x250x40xi32, #tpu.memory_space<hbm>> -> memref<1x250x40xi32, #tpu.memory_space<hbm>>
      %dma_start3A_52 = tpu.memref_squeeze %dma_start3A_51 : memref<1x250x40xi32, #tpu.memory_space<hbm>> -> memref<250x40xi32, #tpu.memory_space<hbm>>
      tpu.enqueue_dma source(%dma_start3A_52 : memref<250x40xi32, #tpu.memory_space<hbm>>) target(%arg5 : memref<250x40xi32, #tpu.memory_space<vmem>>) target_semaphore(%run_scoped3A : memref<!tpu.dma_semaphore, #tpu.memory_space<semaphore_mem>>)
      %dma_wait3A = arith.constant 0 : i32
      %dma_wait3A_53 = arith.constant 0 : i32
      %dma_wait3A_54 = tpu.memref_slice %arg3[%add3A, %dma_wait3A, %dma_wait3A_53] : memref<32x250x40xi32, #tpu.memory_space<hbm>> -> memref<1x250x40xi32, #tpu.memory_space<hbm>>
      %dma_wait3A_55 = tpu.memref_squeeze %dma_wait3A_54 : memref<1x250x40xi32, #tpu.memory_space<hbm>> -> memref<250x40xi32, #tpu.memory_space<hbm>>
      %dma_wait3A_56 = arith.constant 0 : i32
      %dma_wait3A_57 = arith.constant 0 : i32
      %dma_wait3A_58 = tpu.memref_slice %arg3[%add3A, %dma_wait3A_56, %dma_wait3A_57] : memref<32x250x40xi32, #tpu.memory_space<hbm>> -> memref<1x250x40xi32, #tpu.memory_space<hbm>>
      %dma_wait3A_59 = tpu.memref_squeeze %dma_wait3A_58 : memref<1x250x40xi32, #tpu.memory_space<hbm>> -> memref<250x40xi32, #tpu.memory_space<hbm>>
      tpu.wait_dma2 semaphore(%run_scoped3A : memref<!tpu.dma_semaphore, #tpu.memory_space<semaphore_mem>>) src(%dma_wait3A_59 : memref<250x40xi32, #tpu.memory_space<hbm>>) dst(%arg5 : memref<250x40xi32, #tpu.memory_space<vmem>>)
      tpu.yield
    }) : () -> ()
    %barrier3A = arith.constant 0 : index
    tpu.barrier barrier_id(%barrier3A)
    %dma_start3A = arith.constant 0 : i32
    %dma_start3A_11 = arith.constant 0 : i32
    %dma_start3A_12 = arith.constant 0 : i32
    %dma_start3A_13 = arith.constant 0 : i32
    %dma_start3A_14 = arith.constant 0 : i32
    %dma_start3A_15 = tpu.memref_slice %arg6[%dma_start3A_11, %dma_start3A_13, %dma_start3A_14] : memref<2x40x128xf32, #tpu.memory_space<vmem>> -> memref<1x40x128xf32, #tpu.memory_space<vmem>>
    %dma_start3A_16 = tpu.memref_squeeze %dma_start3A_15 : memref<1x40x128xf32, #tpu.memory_space<vmem>> -> memref<40x128xf32, #tpu.memory_space<vmem>>
    %dma_start3A_17 = arith.constant 0 : i32
    %dma_start3A_18 = tpu.memref_slice %arg5[%dma_start3A, %dma_start3A_17] : memref<250x40xi32, #tpu.memory_space<vmem>> -> memref<1x40xi32, #tpu.memory_space<vmem>>
    %dma_start3A_19 = tpu.memref_squeeze %dma_start3A_18 : memref<1x40xi32, #tpu.memory_space<vmem>> -> memref<40xi32, #tpu.memory_space<vmem>>
    %dma_start3A_20 = arith.constant 0 : i32
    %dma_start3A_21 = arith.constant 0 : i32
    %dma_start3A_22 = tpu.memref_slice %arg7[%dma_start3A_20, %dma_start3A_21] : memref<10240x128xf32, #tpu.memory_space<vmem_shared>> -> memref<10240x128xf32, #tpu.memory_space<vmem_shared>>
    %dma_start3A_23 = tpu.memref_slice %arg8[%dma_start3A_12] : memref<2x!tpu.dma_semaphore, #tpu.memory_space<semaphore_mem>> -> memref<1x!tpu.dma_semaphore, #tpu.memory_space<semaphore_mem>>
    %dma_start3A_24 = tpu.memref_squeeze %dma_start3A_23 : memref<1x!tpu.dma_semaphore, #tpu.memory_space<semaphore_mem>> -> memref<!tpu.dma_semaphore, #tpu.memory_space<semaphore_mem>>
    tpu.enqueue_indirect_dma source(%dma_start3A_22 : memref<10240x128xf32, #tpu.memory_space<vmem_shared>>) target(%dma_start3A_16 : memref<40x128xf32, #tpu.memory_space<vmem>>) offsets(%dma_start3A_19 : memref<40xi32, #tpu.memory_space<vmem>>) semaphore(%dma_start3A_24 : memref<!tpu.dma_semaphore, #tpu.memory_space<semaphore_mem>>)
    %dma_start3A_25 = arith.constant 1 : i32
    %dma_start3A_26 = arith.constant 1 : i32
    %dma_start3A_27 = arith.constant 1 : i32
    %dma_start3A_28 = arith.constant 0 : i32
    %dma_start3A_29 = arith.constant 0 : i32
    %dma_start3A_30 = tpu.memref_slice %arg6[%dma_start3A_26, %dma_start3A_28, %dma_start3A_29] : memref<2x40x128xf32, #tpu.memory_space<vmem>> -> memref<1x40x128xf32, #tpu.memory_space<vmem>>
    %dma_start3A_31 = tpu.memref_squeeze %dma_start3A_30 : memref<1x40x128xf32, #tpu.memory_space<vmem>> -> memref<40x128xf32, #tpu.memory_space<vmem>>
    %dma_start3A_32 = arith.constant 0 : i32
    %dma_start3A_33 = tpu.memref_slice %arg5[%dma_start3A_25, %dma_start3A_32] : memref<250x40xi32, #tpu.memory_space<vmem>> -> memref<1x40xi32, #tpu.memory_space<vmem>>
    %dma_start3A_34 = tpu.memref_squeeze %dma_start3A_33 : memref<1x40xi32, #tpu.memory_space<vmem>> -> memref<40xi32, #tpu.memory_space<vmem>>
    %dma_start3A_35 = arith.constant 0 : i32
    %dma_start3A_36 = arith.constant 0 : i32
    %dma_start3A_37 = tpu.memref_slice %arg7[%dma_start3A_35, %dma_start3A_36] : memref<10240x128xf32, #tpu.memory_space<vmem_shared>> -> memref<10240x128xf32, #tpu.memory_space<vmem_shared>>
    %dma_start3A_38 = tpu.memref_slice %arg8[%dma_start3A_27] : memref<2x!tpu.dma_semaphore, #tpu.memory_space<semaphore_mem>> -> memref<1x!tpu.dma_semaphore, #tpu.memory_space<semaphore_mem>>
    %dma_start3A_39 = tpu.memref_squeeze %dma_start3A_38 : memref<1x!tpu.dma_semaphore, #tpu.memory_space<semaphore_mem>> -> memref<!tpu.dma_semaphore, #tpu.memory_space<semaphore_mem>>
    tpu.enqueue_indirect_dma source(%dma_start3A_37 : memref<10240x128xf32, #tpu.memory_space<vmem_shared>>) target(%dma_start3A_31 : memref<40x128xf32, #tpu.memory_space<vmem>>) offsets(%dma_start3A_34 : memref<40xi32, #tpu.memory_space<vmem>>) semaphore(%dma_start3A_39 : memref<!tpu.dma_semaphore, #tpu.memory_space<semaphore_mem>>)
    %scan3A = arith.constant 0 : i32
    %scan3A_40 = arith.constant 0 : i32
    %scan3A_41 = arith.constant 125 : i32
    %scan3A_42 = arith.addi %scan3A_40, %scan3A_41 : i32
    %scan3A_43 = arith.constant 1 : i32
    scf.for %scan3A_45 = %scan3A_40 to %scan3A_42 step %scan3A_43  : i32 {
      %mul3A_46 = arith.constant 2 : i32
      %mul3A_47 = arith.muli %scan3A_45, %mul3A_46 : i32
      %add3A_48 = arith.constant 0 : i32
      %add3A_49 = arith.addi %mul3A_47, %add3A_48 : i32
      %dma_wait3A = arith.constant 0 : i32
      %dma_wait3A_50 = arith.constant 0 : i32
      %dma_wait3A_51 = arith.constant 0 : i32
      %dma_wait3A_52 = arith.constant 0 : i32
      %dma_wait3A_53 = tpu.memref_slice %arg6[%dma_wait3A, %dma_wait3A_51, %dma_wait3A_52] : memref<2x40x128xf32, #tpu.memory_space<vmem>> -> memref<1x40x128xf32, #tpu.memory_space<vmem>>
      %dma_wait3A_54 = tpu.memref_squeeze %dma_wait3A_53 : memref<1x40x128xf32, #tpu.memory_space<vmem>> -> memref<40x128xf32, #tpu.memory_space<vmem>>
      %dma_wait3A_55 = arith.constant 0 : i32
      %dma_wait3A_56 = tpu.memref_slice %arg5[%add3A_49, %dma_wait3A_55] : memref<250x40xi32, #tpu.memory_space<vmem>> -> memref<1x40xi32, #tpu.memory_space<vmem>>
      %dma_wait3A_57 = tpu.memref_squeeze %dma_wait3A_56 : memref<1x40xi32, #tpu.memory_space<vmem>> -> memref<40xi32, #tpu.memory_space<vmem>>
      %dma_wait3A_58 = arith.constant 0 : i32
      %dma_wait3A_59 = arith.constant 0 : i32
      %dma_wait3A_60 = tpu.memref_slice %arg7[%dma_wait3A_58, %dma_wait3A_59] : memref<10240x128xf32, #tpu.memory_space<vmem_shared>> -> memref<10240x128xf32, #tpu.memory_space<vmem_shared>>
      %dma_wait3A_61 = tpu.memref_slice %arg8[%dma_wait3A_50] : memref<2x!tpu.dma_semaphore, #tpu.memory_space<semaphore_mem>> -> memref<1x!tpu.dma_semaphore, #tpu.memory_space<semaphore_mem>>
      %dma_wait3A_62 = tpu.memref_squeeze %dma_wait3A_61 : memref<1x!tpu.dma_semaphore, #tpu.memory_space<semaphore_mem>> -> memref<!tpu.dma_semaphore, #tpu.memory_space<semaphore_mem>>
      tpu.wait_indirect_dma semaphore(%dma_wait3A_62 : memref<!tpu.dma_semaphore, #tpu.memory_space<semaphore_mem>>) src(%dma_wait3A_60 : memref<10240x128xf32, #tpu.memory_space<vmem_shared>>) dst(%dma_wait3A_54 : memref<40x128xf32, #tpu.memory_space<vmem>>)
      %add3A_63 = arith.addi %mul3A_2, %add3A_49 : i32
      %mul3A_64 = arith.constant 40 : i32
      %mul3A_65 = arith.muli %add3A_63, %mul3A_64 : i32
      %dma_start3A_66 = arith.constant 0 : i32
      %dma_start3A_67 = arith.constant 0 : i32
      %dma_start3A_68 = arith.constant 0 : i32
      %dma_start3A_69 = arith.constant 0 : i32
      %dma_start3A_70 = tpu.memref_slice %arg6[%dma_start3A_66, %dma_start3A_68, %dma_start3A_69] : memref<2x40x128xf32, #tpu.memory_space<vmem>> -> memref<1x40x128xf32, #tpu.memory_space<vmem>>
      %dma_start3A_71 = tpu.memref_squeeze %dma_start3A_70 : memref<1x40x128xf32, #tpu.memory_space<vmem>> -> memref<40x128xf32, #tpu.memory_space<vmem>>
      %dma_start3A_72 = arith.constant 0 : i32
      %dma_start3A_73 = tpu.memref_slice %arg4[%mul3A_65, %dma_start3A_72] : memref<320000x128xf32, #tpu.memory_space<hbm>> -> memref<40x128xf32, #tpu.memory_space<hbm>>
      %dma_start3A_74 = tpu.memref_slice %arg9[%dma_start3A_67] : memref<2x!tpu.dma_semaphore, #tpu.memory_space<semaphore_mem>> -> memref<1x!tpu.dma_semaphore, #tpu.memory_space<semaphore_mem>>
      %dma_start3A_75 = tpu.memref_squeeze %dma_start3A_74 : memref<1x!tpu.dma_semaphore, #tpu.memory_space<semaphore_mem>> -> memref<!tpu.dma_semaphore, #tpu.memory_space<semaphore_mem>>
      %dma_start3A_76 = arith.constant 0 : i32
      %dma_start3A_77 = tpu.memref_slice %arg4[%mul3A_65, %dma_start3A_76] : memref<320000x128xf32, #tpu.memory_space<hbm>> -> memref<40x128xf32, #tpu.memory_space<hbm>>
      %dma_start3A_78 = arith.constant 0 : i32
      %dma_start3A_79 = arith.constant 0 : i32
      %dma_start3A_80 = tpu.memref_slice %arg6[%dma_start3A_66, %dma_start3A_78, %dma_start3A_79] : memref<2x40x128xf32, #tpu.memory_space<vmem>> -> memref<1x40x128xf32, #tpu.memory_space<vmem>>
      %dma_start3A_81 = tpu.memref_squeeze %dma_start3A_80 : memref<1x40x128xf32, #tpu.memory_space<vmem>> -> memref<40x128xf32, #tpu.memory_space<vmem>>
      tpu.enqueue_dma source(%dma_start3A_81 : memref<40x128xf32, #tpu.memory_space<vmem>>) target(%dma_start3A_77 : memref<40x128xf32, #tpu.memory_space<hbm>>) target_semaphore(%dma_start3A_75 : memref<!tpu.dma_semaphore, #tpu.memory_space<semaphore_mem>>)
      %dma_wait3A_82 = arith.constant 0 : i32
      %dma_wait3A_83 = arith.constant 0 : i32
      %dma_wait3A_84 = arith.constant 0 : i32
      %dma_wait3A_85 = arith.constant 0 : i32
      %dma_wait3A_86 = tpu.memref_slice %arg6[%dma_wait3A_82, %dma_wait3A_84, %dma_wait3A_85] : memref<2x40x128xf32, #tpu.memory_space<vmem>> -> memref<1x40x128xf32, #tpu.memory_space<vmem>>
      %dma_wait3A_87 = tpu.memref_squeeze %dma_wait3A_86 : memref<1x40x128xf32, #tpu.memory_space<vmem>> -> memref<40x128xf32, #tpu.memory_space<vmem>>
      %dma_wait3A_88 = arith.constant 0 : i32
      %dma_wait3A_89 = tpu.memref_slice %arg4[%mul3A_65, %dma_wait3A_88] : memref<320000x128xf32, #tpu.memory_space<hbm>> -> memref<40x128xf32, #tpu.memory_space<hbm>>
      %dma_wait3A_90 = tpu.memref_slice %arg9[%dma_wait3A_83] : memref<2x!tpu.dma_semaphore, #tpu.memory_space<semaphore_mem>> -> memref<1x!tpu.dma_semaphore, #tpu.memory_space<semaphore_mem>>
      %dma_wait3A_91 = tpu.memref_squeeze %dma_wait3A_90 : memref<1x!tpu.dma_semaphore, #tpu.memory_space<semaphore_mem>> -> memref<!tpu.dma_semaphore, #tpu.memory_space<semaphore_mem>>
      %dma_wait3A_92 = arith.constant 0 : i32
      %dma_wait3A_93 = tpu.memref_slice %arg4[%mul3A_65, %dma_wait3A_92] : memref<320000x128xf32, #tpu.memory_space<hbm>> -> memref<40x128xf32, #tpu.memory_space<hbm>>
      %dma_wait3A_94 = arith.constant 0 : i32
      %dma_wait3A_95 = arith.constant 0 : i32
      %dma_wait3A_96 = tpu.memref_slice %arg6[%dma_wait3A_82, %dma_wait3A_94, %dma_wait3A_95] : memref<2x40x128xf32, #tpu.memory_space<vmem>> -> memref<1x40x128xf32, #tpu.memory_space<vmem>>
      %dma_wait3A_97 = tpu.memref_squeeze %dma_wait3A_96 : memref<1x40x128xf32, #tpu.memory_space<vmem>> -> memref<40x128xf32, #tpu.memory_space<vmem>>
      tpu.wait_dma2 semaphore(%dma_wait3A_91 : memref<!tpu.dma_semaphore, #tpu.memory_space<semaphore_mem>>) src(%dma_wait3A_97 : memref<40x128xf32, #tpu.memory_space<vmem>>) dst(%dma_wait3A_93 : memref<40x128xf32, #tpu.memory_space<hbm>>)
      %add3A_98 = arith.constant 2 : i32
      %add3A_99 = arith.addi %add3A_49, %add3A_98 : i32
      %lt3A_100 = arith.constant 250 : i32
      %lt3A_101 = arith.cmpi slt, %add3A_99, %lt3A_100 : i32
      %convert_element_type3A_102 = arith.extui %lt3A_101 : i1 to i32
      %cond3A_103 = arith.constant 0 : i32
      %cond3A_104 = arith.cmpi ne, %convert_element_type3A_102, %cond3A_103 : i32
      scf.if %cond3A_104 {
        %dma_start3A_165 = arith.constant 0 : i32
        %dma_start3A_166 = arith.constant 0 : i32
        %dma_start3A_167 = arith.constant 0 : i32
        %dma_start3A_168 = arith.constant 0 : i32
        %dma_start3A_169 = tpu.memref_slice %arg6[%dma_start3A_165, %dma_start3A_167, %dma_start3A_168] : memref<2x40x128xf32, #tpu.memory_space<vmem>> -> memref<1x40x128xf32, #tpu.memory_space<vmem>>
        %dma_start3A_170 = tpu.memref_squeeze %dma_start3A_169 : memref<1x40x128xf32, #tpu.memory_space<vmem>> -> memref<40x128xf32, #tpu.memory_space<vmem>>
        %dma_start3A_171 = arith.constant 0 : i32
        %dma_start3A_172 = tpu.memref_slice %arg5[%add3A_99, %dma_start3A_171] : memref<250x40xi32, #tpu.memory_space<vmem>> -> memref<1x40xi32, #tpu.memory_space<vmem>>
        %dma_start3A_173 = tpu.memref_squeeze %dma_start3A_172 : memref<1x40xi32, #tpu.memory_space<vmem>> -> memref<40xi32, #tpu.memory_space<vmem>>
        %dma_start3A_174 = arith.constant 0 : i32
        %dma_start3A_175 = arith.constant 0 : i32
        %dma_start3A_176 = tpu.memref_slice %arg7[%dma_start3A_174, %dma_start3A_175] : memref<10240x128xf32, #tpu.memory_space<vmem_shared>> -> memref<10240x128xf32, #tpu.memory_space<vmem_shared>>
        %dma_start3A_177 = tpu.memref_slice %arg8[%dma_start3A_166] : memref<2x!tpu.dma_semaphore, #tpu.memory_space<semaphore_mem>> -> memref<1x!tpu.dma_semaphore, #tpu.memory_space<semaphore_mem>>
        %dma_start3A_178 = tpu.memref_squeeze %dma_start3A_177 : memref<1x!tpu.dma_semaphore, #tpu.memory_space<semaphore_mem>> -> memref<!tpu.dma_semaphore, #tpu.memory_space<semaphore_mem>>
        tpu.enqueue_indirect_dma source(%dma_start3A_176 : memref<10240x128xf32, #tpu.memory_space<vmem_shared>>) target(%dma_start3A_170 : memref<40x128xf32, #tpu.memory_space<vmem>>) offsets(%dma_start3A_173 : memref<40xi32, #tpu.memory_space<vmem>>) semaphore(%dma_start3A_178 : memref<!tpu.dma_semaphore, #tpu.memory_space<semaphore_mem>>)
      } else {
      }
      %mul3A_105 = arith.constant 2 : i32
      %mul3A_106 = arith.muli %scan3A_45, %mul3A_105 : i32
      %add3A_107 = arith.constant 1 : i32
      %add3A_108 = arith.addi %mul3A_106, %add3A_107 : i32
      %dma_wait3A_109 = arith.constant 1 : i32
      %dma_wait3A_110 = arith.constant 1 : i32
      %dma_wait3A_111 = arith.constant 0 : i32
      %dma_wait3A_112 = arith.constant 0 : i32
      %dma_wait3A_113 = tpu.memref_slice %arg6[%dma_wait3A_109, %dma_wait3A_111, %dma_wait3A_112] : memref<2x40x128xf32, #tpu.memory_space<vmem>> -> memref<1x40x128xf32, #tpu.memory_space<vmem>>
      %dma_wait3A_114 = tpu.memref_squeeze %dma_wait3A_113 : memref<1x40x128xf32, #tpu.memory_space<vmem>> -> memref<40x128xf32, #tpu.memory_space<vmem>>
      %dma_wait3A_115 = arith.constant 0 : i32
      %dma_wait3A_116 = tpu.memref_slice %arg5[%add3A_108, %dma_wait3A_115] : memref<250x40xi32, #tpu.memory_space<vmem>> -> memref<1x40xi32, #tpu.memory_space<vmem>>
      %dma_wait3A_117 = tpu.memref_squeeze %dma_wait3A_116 : memref<1x40xi32, #tpu.memory_space<vmem>> -> memref<40xi32, #tpu.memory_space<vmem>>
      %dma_wait3A_118 = arith.constant 0 : i32
      %dma_wait3A_119 = arith.constant 0 : i32
      %dma_wait3A_120 = tpu.memref_slice %arg7[%dma_wait3A_118, %dma_wait3A_119] : memref<10240x128xf32, #tpu.memory_space<vmem_shared>> -> memref<10240x128xf32, #tpu.memory_space<vmem_shared>>
      %dma_wait3A_121 = tpu.memref_slice %arg8[%dma_wait3A_110] : memref<2x!tpu.dma_semaphore, #tpu.memory_space<semaphore_mem>> -> memref<1x!tpu.dma_semaphore, #tpu.memory_space<semaphore_mem>>
      %dma_wait3A_122 = tpu.memref_squeeze %dma_wait3A_121 : memref<1x!tpu.dma_semaphore, #tpu.memory_space<semaphore_mem>> -> memref<!tpu.dma_semaphore, #tpu.memory_space<semaphore_mem>>
      tpu.wait_indirect_dma semaphore(%dma_wait3A_122 : memref<!tpu.dma_semaphore, #tpu.memory_space<semaphore_mem>>) src(%dma_wait3A_120 : memref<10240x128xf32, #tpu.memory_space<vmem_shared>>) dst(%dma_wait3A_114 : memref<40x128xf32, #tpu.memory_space<vmem>>)
      %add3A_123 = arith.addi %mul3A_2, %add3A_108 : i32
      %mul3A_124 = arith.constant 40 : i32
      %mul3A_125 = arith.muli %add3A_123, %mul3A_124 : i32
      %dma_start3A_126 = arith.constant 1 : i32
      %dma_start3A_127 = arith.constant 1 : i32
      %dma_start3A_128 = arith.constant 0 : i32
      %dma_start3A_129 = arith.constant 0 : i32
      %dma_start3A_130 = tpu.memref_slice %arg6[%dma_start3A_126, %dma_start3A_128, %dma_start3A_129] : memref<2x40x128xf32, #tpu.memory_space<vmem>> -> memref<1x40x128xf32, #tpu.memory_space<vmem>>
      %dma_start3A_131 = tpu.memref_squeeze %dma_start3A_130 : memref<1x40x128xf32, #tpu.memory_space<vmem>> -> memref<40x128xf32, #tpu.memory_space<vmem>>
      %dma_start3A_132 = arith.constant 0 : i32
      %dma_start3A_133 = tpu.memref_slice %arg4[%mul3A_125, %dma_start3A_132] : memref<320000x128xf32, #tpu.memory_space<hbm>> -> memref<40x128xf32, #tpu.memory_space<hbm>>
      %dma_start3A_134 = tpu.memref_slice %arg9[%dma_start3A_127] : memref<2x!tpu.dma_semaphore, #tpu.memory_space<semaphore_mem>> -> memref<1x!tpu.dma_semaphore, #tpu.memory_space<semaphore_mem>>
      %dma_start3A_135 = tpu.memref_squeeze %dma_start3A_134 : memref<1x!tpu.dma_semaphore, #tpu.memory_space<semaphore_mem>> -> memref<!tpu.dma_semaphore, #tpu.memory_space<semaphore_mem>>
      %dma_start3A_136 = arith.constant 0 : i32
      %dma_start3A_137 = tpu.memref_slice %arg4[%mul3A_125, %dma_start3A_136] : memref<320000x128xf32, #tpu.memory_space<hbm>> -> memref<40x128xf32, #tpu.memory_space<hbm>>
      %dma_start3A_138 = arith.constant 0 : i32
      %dma_start3A_139 = arith.constant 0 : i32
      %dma_start3A_140 = tpu.memref_slice %arg6[%dma_start3A_126, %dma_start3A_138, %dma_start3A_139] : memref<2x40x128xf32, #tpu.memory_space<vmem>> -> memref<1x40x128xf32, #tpu.memory_space<vmem>>
      %dma_start3A_141 = tpu.memref_squeeze %dma_start3A_140 : memref<1x40x128xf32, #tpu.memory_space<vmem>> -> memref<40x128xf32, #tpu.memory_space<vmem>>
      tpu.enqueue_dma source(%dma_start3A_141 : memref<40x128xf32, #tpu.memory_space<vmem>>) target(%dma_start3A_137 : memref<40x128xf32, #tpu.memory_space<hbm>>) target_semaphore(%dma_start3A_135 : memref<!tpu.dma_semaphore, #tpu.memory_space<semaphore_mem>>)
      %dma_wait3A_142 = arith.constant 1 : i32
      %dma_wait3A_143 = arith.constant 1 : i32
      %dma_wait3A_144 = arith.constant 0 : i32
      %dma_wait3A_145 = arith.constant 0 : i32
      %dma_wait3A_146 = tpu.memref_slice %arg6[%dma_wait3A_142, %dma_wait3A_144, %dma_wait3A_145] : memref<2x40x128xf32, #tpu.memory_space<vmem>> -> memref<1x40x128xf32, #tpu.memory_space<vmem>>
      %dma_wait3A_147 = tpu.memref_squeeze %dma_wait3A_146 : memref<1x40x128xf32, #tpu.memory_space<vmem>> -> memref<40x128xf32, #tpu.memory_space<vmem>>
      %dma_wait3A_148 = arith.constant 0 : i32
      %dma_wait3A_149 = tpu.memref_slice %arg4[%mul3A_125, %dma_wait3A_148] : memref<320000x128xf32, #tpu.memory_space<hbm>> -> memref<40x128xf32, #tpu.memory_space<hbm>>
      %dma_wait3A_150 = tpu.memref_slice %arg9[%dma_wait3A_143] : memref<2x!tpu.dma_semaphore, #tpu.memory_space<semaphore_mem>> -> memref<1x!tpu.dma_semaphore, #tpu.memory_space<semaphore_mem>>
      %dma_wait3A_151 = tpu.memref_squeeze %dma_wait3A_150 : memref<1x!tpu.dma_semaphore, #tpu.memory_space<semaphore_mem>> -> memref<!tpu.dma_semaphore, #tpu.memory_space<semaphore_mem>>
      %dma_wait3A_152 = arith.constant 0 : i32
      %dma_wait3A_153 = tpu.memref_slice %arg4[%mul3A_125, %dma_wait3A_152] : memref<320000x128xf32, #tpu.memory_space<hbm>> -> memref<40x128xf32, #tpu.memory_space<hbm>>
      %dma_wait3A_154 = arith.constant 0 : i32
      %dma_wait3A_155 = arith.constant 0 : i32
      %dma_wait3A_156 = tpu.memref_slice %arg6[%dma_wait3A_142, %dma_wait3A_154, %dma_wait3A_155] : memref<2x40x128xf32, #tpu.memory_space<vmem>> -> memref<1x40x128xf32, #tpu.memory_space<vmem>>
      %dma_wait3A_157 = tpu.memref_squeeze %dma_wait3A_156 : memref<1x40x128xf32, #tpu.memory_space<vmem>> -> memref<40x128xf32, #tpu.memory_space<vmem>>
      tpu.wait_dma2 semaphore(%dma_wait3A_151 : memref<!tpu.dma_semaphore, #tpu.memory_space<semaphore_mem>>) src(%dma_wait3A_157 : memref<40x128xf32, #tpu.memory_space<vmem>>) dst(%dma_wait3A_153 : memref<40x128xf32, #tpu.memory_space<hbm>>)
      %add3A_158 = arith.constant 2 : i32
      %add3A_159 = arith.addi %add3A_108, %add3A_158 : i32
      %lt3A_160 = arith.constant 250 : i32
      %lt3A_161 = arith.cmpi slt, %add3A_159, %lt3A_160 : i32
      %convert_element_type3A_162 = arith.extui %lt3A_161 : i1 to i32
      %cond3A_163 = arith.constant 0 : i32
      %cond3A_164 = arith.cmpi ne, %convert_element_type3A_162, %cond3A_163 : i32
      scf.if %cond3A_164 {
        %dma_start3A_165 = arith.constant 1 : i32
        %dma_start3A_166 = arith.constant 1 : i32
        %dma_start3A_167 = arith.constant 0 : i32
        %dma_start3A_168 = arith.constant 0 : i32
        %dma_start3A_169 = tpu.memref_slice %arg6[%dma_start3A_165, %dma_start3A_167, %dma_start3A_168] : memref<2x40x128xf32, #tpu.memory_space<vmem>> -> memref<1x40x128xf32, #tpu.memory_space<vmem>>
        %dma_start3A_170 = tpu.memref_squeeze %dma_start3A_169 : memref<1x40x128xf32, #tpu.memory_space<vmem>> -> memref<40x128xf32, #tpu.memory_space<vmem>>
        %dma_start3A_171 = arith.constant 0 : i32
        %dma_start3A_172 = tpu.memref_slice %arg5[%add3A_159, %dma_start3A_171] : memref<250x40xi32, #tpu.memory_space<vmem>> -> memref<1x40xi32, #tpu.memory_space<vmem>>
        %dma_start3A_173 = tpu.memref_squeeze %dma_start3A_172 : memref<1x40xi32, #tpu.memory_space<vmem>> -> memref<40xi32, #tpu.memory_space<vmem>>
        %dma_start3A_174 = arith.constant 0 : i32
        %dma_start3A_175 = arith.constant 0 : i32
        %dma_start3A_176 = tpu.memref_slice %arg7[%dma_start3A_174, %dma_start3A_175] : memref<10240x128xf32, #tpu.memory_space<vmem_shared>> -> memref<10240x128xf32, #tpu.memory_space<vmem_shared>>
        %dma_start3A_177 = tpu.memref_slice %arg8[%dma_start3A_166] : memref<2x!tpu.dma_semaphore, #tpu.memory_space<semaphore_mem>> -> memref<1x!tpu.dma_semaphore, #tpu.memory_space<semaphore_mem>>
        %dma_start3A_178 = tpu.memref_squeeze %dma_start3A_177 : memref<1x!tpu.dma_semaphore, #tpu.memory_space<semaphore_mem>> -> memref<!tpu.dma_semaphore, #tpu.memory_space<semaphore_mem>>
        tpu.enqueue_indirect_dma source(%dma_start3A_176 : memref<10240x128xf32, #tpu.memory_space<vmem_shared>>) target(%dma_start3A_170 : memref<40x128xf32, #tpu.memory_space<vmem>>) offsets(%dma_start3A_173 : memref<40xi32, #tpu.memory_space<vmem>>) semaphore(%dma_start3A_178 : memref<!tpu.dma_semaphore, #tpu.memory_space<semaphore_mem>>)
      } else {
      }
    }
    %scan3A_44 = arith.constant 125 : i32
    return
  }
}

#map = affine_map<(d0, d1) -> (0, 0)>
#map1 = affine_map<(d0, d1) -> (0, 0, 0)>
module attributes {stable_mosaic.version = 14 : i64} {
  func.func @scatter_k(%arg0: i32, %arg1: i32, %arg2: memref<320000x128xf32, #tpu.memory_space<hbm>>, %arg3: memref<32x250x40xi32, #tpu.memory_space<hbm>>, %arg4: memref<128x128xf32, #tpu.memory_space<hbm>>, %arg5: memref<2x10240x128xf32, #tpu.memory_space<hbm>>, %arg6: memref<250x40xi32, #tpu.memory_space<vmem>>, %arg7: memref<2x40x128xf32, #tpu.memory_space<vmem>>, %arg8: memref<10240x128xf32, #tpu.memory_space<vmem_shared>>, %arg9: memref<2x!tpu.dma_semaphore, #tpu.memory_space<semaphore_mem>>) attributes {dimension_semantics = [#tpu.dimension_semantics<core_parallel>, #tpu.dimension_semantics<subcore_parallel>], iteration_bounds = array<i64: 2, 16>, scalar_prefetch = 0 : i64, scratch_operands = 4 : i64, tpu.core_type = #tpu.core_type<sc_vector_subcore>, window_params = [{transform_indices = #map}, {transform_indices = #map1}, {transform_indices = #map}, {transform_indices = #map1}]} {
    %scan3A = arith.constant 0 : i32
    %scan3A_0 = arith.constant 0 : i32
    %scan3A_1 = arith.constant 5 : i32
    %scan3A_2 = arith.addi %scan3A_0, %scan3A_1 : i32
    %scan3A_3 = arith.constant 1 : i32
    scf.for %scan3A_60 = %scan3A_0 to %scan3A_2 step %scan3A_3  : i32 {
      %mul3A_61 = arith.constant 640 : i32
      %mul3A_62 = arith.muli %arg1, %mul3A_61 : i32
      %mul3A_63 = arith.constant 128 : i32
      %mul3A_64 = arith.muli %scan3A_60, %mul3A_63 : i32
      %add3A_65 = arith.addi %mul3A_62, %mul3A_64 : i32
      "tpu.region"() ({
        %run_scoped3A = tpu.sem_alloc : memref<!tpu.dma_semaphore, #tpu.memory_space<semaphore_mem>>
        %dma_start3A_66 = arith.constant 0 : i32
        %dma_start3A_67 = tpu.memref_slice %arg8[%add3A_65, %dma_start3A_66] : memref<10240x128xf32, #tpu.memory_space<vmem_shared>> -> memref<128x128xf32, #tpu.memory_space<vmem_shared>>
        tpu.enqueue_dma source(%arg4 : memref<128x128xf32, #tpu.memory_space<hbm>>) target(%dma_start3A_67 : memref<128x128xf32, #tpu.memory_space<vmem_shared>>) target_semaphore(%run_scoped3A : memref<!tpu.dma_semaphore, #tpu.memory_space<semaphore_mem>>)
        %dma_wait3A = arith.constant 0 : i32
        %dma_wait3A_68 = tpu.memref_slice %arg8[%add3A_65, %dma_wait3A] : memref<10240x128xf32, #tpu.memory_space<vmem_shared>> -> memref<128x128xf32, #tpu.memory_space<vmem_shared>>
        tpu.wait_dma2 semaphore(%run_scoped3A : memref<!tpu.dma_semaphore, #tpu.memory_space<semaphore_mem>>) src(%arg4 : memref<128x128xf32, #tpu.memory_space<hbm>>) dst(%dma_wait3A_68 : memref<128x128xf32, #tpu.memory_space<vmem_shared>>)
        tpu.yield
      }) : () -> ()
    }
    %scan3A_4 = arith.constant 5 : i32
    %mul3A = arith.constant 16 : i32
    %mul3A_5 = arith.muli %arg0, %mul3A : i32
    %add3A = arith.addi %mul3A_5, %arg1 : i32
    %mul3A_6 = arith.constant 250 : i32
    %mul3A_7 = arith.muli %add3A, %mul3A_6 : i32
    "tpu.region"() ({
      %run_scoped3A = tpu.sem_alloc : memref<!tpu.dma_semaphore, #tpu.memory_space<semaphore_mem>>
      %dma_start3A_60 = arith.constant 0 : i32
      %dma_start3A_61 = arith.constant 0 : i32
      %dma_start3A_62 = tpu.memref_slice %arg3[%add3A, %dma_start3A_60, %dma_start3A_61] : memref<32x250x40xi32, #tpu.memory_space<hbm>> -> memref<1x250x40xi32, #tpu.memory_space<hbm>>
      %dma_start3A_63 = tpu.memref_squeeze %dma_start3A_62 : memref<1x250x40xi32, #tpu.memory_space<hbm>> -> memref<250x40xi32, #tpu.memory_space<hbm>>
      %dma_start3A_64 = arith.constant 0 : i32
      %dma_start3A_65 = arith.constant 0 : i32
      %dma_start3A_66 = tpu.memref_slice %arg3[%add3A, %dma_start3A_64, %dma_start3A_65] : memref<32x250x40xi32, #tpu.memory_space<hbm>> -> memref<1x250x40xi32, #tpu.memory_space<hbm>>
      %dma_start3A_67 = tpu.memref_squeeze %dma_start3A_66 : memref<1x250x40xi32, #tpu.memory_space<hbm>> -> memref<250x40xi32, #tpu.memory_space<hbm>>
      tpu.enqueue_dma source(%dma_start3A_67 : memref<250x40xi32, #tpu.memory_space<hbm>>) target(%arg6 : memref<250x40xi32, #tpu.memory_space<vmem>>) target_semaphore(%run_scoped3A : memref<!tpu.dma_semaphore, #tpu.memory_space<semaphore_mem>>)
      %dma_wait3A = arith.constant 0 : i32
      %dma_wait3A_68 = arith.constant 0 : i32
      %dma_wait3A_69 = tpu.memref_slice %arg3[%add3A, %dma_wait3A, %dma_wait3A_68] : memref<32x250x40xi32, #tpu.memory_space<hbm>> -> memref<1x250x40xi32, #tpu.memory_space<hbm>>
      %dma_wait3A_70 = tpu.memref_squeeze %dma_wait3A_69 : memref<1x250x40xi32, #tpu.memory_space<hbm>> -> memref<250x40xi32, #tpu.memory_space<hbm>>
      %dma_wait3A_71 = arith.constant 0 : i32
      %dma_wait3A_72 = arith.constant 0 : i32
      %dma_wait3A_73 = tpu.memref_slice %arg3[%add3A, %dma_wait3A_71, %dma_wait3A_72] : memref<32x250x40xi32, #tpu.memory_space<hbm>> -> memref<1x250x40xi32, #tpu.memory_space<hbm>>
      %dma_wait3A_74 = tpu.memref_squeeze %dma_wait3A_73 : memref<1x250x40xi32, #tpu.memory_space<hbm>> -> memref<250x40xi32, #tpu.memory_space<hbm>>
      tpu.wait_dma2 semaphore(%run_scoped3A : memref<!tpu.dma_semaphore, #tpu.memory_space<semaphore_mem>>) src(%dma_wait3A_74 : memref<250x40xi32, #tpu.memory_space<hbm>>) dst(%arg6 : memref<250x40xi32, #tpu.memory_space<vmem>>)
      tpu.yield
    }) : () -> ()
    %barrier3A = arith.constant 0 : index
    tpu.barrier barrier_id(%barrier3A)
    %add3A_8 = arith.constant 0 : i32
    %add3A_9 = arith.addi %mul3A_7, %add3A_8 : i32
    %mul3A_10 = arith.constant 40 : i32
    %mul3A_11 = arith.muli %add3A_9, %mul3A_10 : i32
    %dma_start3A = arith.constant 0 : i32
    %dma_start3A_12 = arith.constant 0 : i32
    %dma_start3A_13 = arith.constant 0 : i32
    %dma_start3A_14 = arith.constant 0 : i32
    %dma_start3A_15 = tpu.memref_slice %arg7[%dma_start3A, %dma_start3A_13, %dma_start3A_14] : memref<2x40x128xf32, #tpu.memory_space<vmem>> -> memref<1x40x128xf32, #tpu.memory_space<vmem>>
    %dma_start3A_16 = tpu.memref_squeeze %dma_start3A_15 : memref<1x40x128xf32, #tpu.memory_space<vmem>> -> memref<40x128xf32, #tpu.memory_space<vmem>>
    %dma_start3A_17 = arith.constant 0 : i32
    %dma_start3A_18 = tpu.memref_slice %arg2[%mul3A_11, %dma_start3A_17] : memref<320000x128xf32, #tpu.memory_space<hbm>> -> memref<40x128xf32, #tpu.memory_space<hbm>>
    %dma_start3A_19 = tpu.memref_slice %arg9[%dma_start3A_12] : memref<2x!tpu.dma_semaphore, #tpu.memory_space<semaphore_mem>> -> memref<1x!tpu.dma_semaphore, #tpu.memory_space<semaphore_mem>>
    %dma_start3A_20 = tpu.memref_squeeze %dma_start3A_19 : memref<1x!tpu.dma_semaphore, #tpu.memory_space<semaphore_mem>> -> memref<!tpu.dma_semaphore, #tpu.memory_space<semaphore_mem>>
    %dma_start3A_21 = arith.constant 0 : i32
    %dma_start3A_22 = arith.constant 0 : i32
    %dma_start3A_23 = tpu.memref_slice %arg7[%dma_start3A, %dma_start3A_21, %dma_start3A_22] : memref<2x40x128xf32, #tpu.memory_space<vmem>> -> memref<1x40x128xf32, #tpu.memory_space<vmem>>
    %dma_start3A_24 = tpu.memref_squeeze %dma_start3A_23 : memref<1x40x128xf32, #tpu.memory_space<vmem>> -> memref<40x128xf32, #tpu.memory_space<vmem>>
    %dma_start3A_25 = arith.constant 0 : i32
    %dma_start3A_26 = tpu.memref_slice %arg2[%mul3A_11, %dma_start3A_25] : memref<320000x128xf32, #tpu.memory_space<hbm>> -> memref<40x128xf32, #tpu.memory_space<hbm>>
    tpu.enqueue_dma source(%dma_start3A_26 : memref<40x128xf32, #tpu.memory_space<hbm>>) target(%dma_start3A_24 : memref<40x128xf32, #tpu.memory_space<vmem>>) target_semaphore(%dma_start3A_20 : memref<!tpu.dma_semaphore, #tpu.memory_space<semaphore_mem>>)
    %add3A_27 = arith.constant 1 : i32
    %add3A_28 = arith.addi %mul3A_7, %add3A_27 : i32
    %mul3A_29 = arith.constant 40 : i32
    %mul3A_30 = arith.muli %add3A_28, %mul3A_29 : i32
    %dma_start3A_31 = arith.constant 1 : i32
    %dma_start3A_32 = arith.constant 1 : i32
    %dma_start3A_33 = arith.constant 0 : i32
    %dma_start3A_34 = arith.constant 0 : i32
    %dma_start3A_35 = tpu.memref_slice %arg7[%dma_start3A_31, %dma_start3A_33, %dma_start3A_34] : memref<2x40x128xf32, #tpu.memory_space<vmem>> -> memref<1x40x128xf32, #tpu.memory_space<vmem>>
    %dma_start3A_36 = tpu.memref_squeeze %dma_start3A_35 : memref<1x40x128xf32, #tpu.memory_space<vmem>> -> memref<40x128xf32, #tpu.memory_space<vmem>>
    %dma_start3A_37 = arith.constant 0 : i32
    %dma_start3A_38 = tpu.memref_slice %arg2[%mul3A_30, %dma_start3A_37] : memref<320000x128xf32, #tpu.memory_space<hbm>> -> memref<40x128xf32, #tpu.memory_space<hbm>>
    %dma_start3A_39 = tpu.memref_slice %arg9[%dma_start3A_32] : memref<2x!tpu.dma_semaphore, #tpu.memory_space<semaphore_mem>> -> memref<1x!tpu.dma_semaphore, #tpu.memory_space<semaphore_mem>>
    %dma_start3A_40 = tpu.memref_squeeze %dma_start3A_39 : memref<1x!tpu.dma_semaphore, #tpu.memory_space<semaphore_mem>> -> memref<!tpu.dma_semaphore, #tpu.memory_space<semaphore_mem>>
    %dma_start3A_41 = arith.constant 0 : i32
    %dma_start3A_42 = arith.constant 0 : i32
    %dma_start3A_43 = tpu.memref_slice %arg7[%dma_start3A_31, %dma_start3A_41, %dma_start3A_42] : memref<2x40x128xf32, #tpu.memory_space<vmem>> -> memref<1x40x128xf32, #tpu.memory_space<vmem>>
    %dma_start3A_44 = tpu.memref_squeeze %dma_start3A_43 : memref<1x40x128xf32, #tpu.memory_space<vmem>> -> memref<40x128xf32, #tpu.memory_space<vmem>>
    %dma_start3A_45 = arith.constant 0 : i32
    %dma_start3A_46 = tpu.memref_slice %arg2[%mul3A_30, %dma_start3A_45] : memref<320000x128xf32, #tpu.memory_space<hbm>> -> memref<40x128xf32, #tpu.memory_space<hbm>>
    tpu.enqueue_dma source(%dma_start3A_46 : memref<40x128xf32, #tpu.memory_space<hbm>>) target(%dma_start3A_44 : memref<40x128xf32, #tpu.memory_space<vmem>>) target_semaphore(%dma_start3A_40 : memref<!tpu.dma_semaphore, #tpu.memory_space<semaphore_mem>>)
    %scan3A_47 = arith.constant 0 : i32
    %scan3A_48 = arith.constant 0 : i32
    %scan3A_49 = arith.constant 125 : i32
    %scan3A_50 = arith.addi %scan3A_48, %scan3A_49 : i32
    %scan3A_51 = arith.constant 1 : i32
    scf.for %scan3A_60 = %scan3A_48 to %scan3A_50 step %scan3A_51  : i32 {
      %mul3A_61 = arith.constant 2 : i32
      %mul3A_62 = arith.muli %scan3A_60, %mul3A_61 : i32
      %add3A_63 = arith.constant 0 : i32
      %add3A_64 = arith.addi %mul3A_62, %add3A_63 : i32
      %add3A_65 = arith.addi %mul3A_7, %add3A_64 : i32
      %mul3A_66 = arith.constant 40 : i32
      %mul3A_67 = arith.muli %add3A_65, %mul3A_66 : i32
      %dma_wait3A = arith.constant 0 : i32
      %dma_wait3A_68 = arith.constant 0 : i32
      %dma_wait3A_69 = arith.constant 0 : i32
      %dma_wait3A_70 = arith.constant 0 : i32
      %dma_wait3A_71 = tpu.memref_slice %arg7[%dma_wait3A, %dma_wait3A_69, %dma_wait3A_70] : memref<2x40x128xf32, #tpu.memory_space<vmem>> -> memref<1x40x128xf32, #tpu.memory_space<vmem>>
      %dma_wait3A_72 = tpu.memref_squeeze %dma_wait3A_71 : memref<1x40x128xf32, #tpu.memory_space<vmem>> -> memref<40x128xf32, #tpu.memory_space<vmem>>
      %dma_wait3A_73 = arith.constant 0 : i32
      %dma_wait3A_74 = tpu.memref_slice %arg2[%mul3A_67, %dma_wait3A_73] : memref<320000x128xf32, #tpu.memory_space<hbm>> -> memref<40x128xf32, #tpu.memory_space<hbm>>
      %dma_wait3A_75 = tpu.memref_slice %arg9[%dma_wait3A_68] : memref<2x!tpu.dma_semaphore, #tpu.memory_space<semaphore_mem>> -> memref<1x!tpu.dma_semaphore, #tpu.memory_space<semaphore_mem>>
      %dma_wait3A_76 = tpu.memref_squeeze %dma_wait3A_75 : memref<1x!tpu.dma_semaphore, #tpu.memory_space<semaphore_mem>> -> memref<!tpu.dma_semaphore, #tpu.memory_space<semaphore_mem>>
      %dma_wait3A_77 = arith.constant 0 : i32
      %dma_wait3A_78 = arith.constant 0 : i32
      %dma_wait3A_79 = tpu.memref_slice %arg7[%dma_wait3A, %dma_wait3A_77, %dma_wait3A_78] : memref<2x40x128xf32, #tpu.memory_space<vmem>> -> memref<1x40x128xf32, #tpu.memory_space<vmem>>
      %dma_wait3A_80 = tpu.memref_squeeze %dma_wait3A_79 : memref<1x40x128xf32, #tpu.memory_space<vmem>> -> memref<40x128xf32, #tpu.memory_space<vmem>>
      %dma_wait3A_81 = arith.constant 0 : i32
      %dma_wait3A_82 = tpu.memref_slice %arg2[%mul3A_67, %dma_wait3A_81] : memref<320000x128xf32, #tpu.memory_space<hbm>> -> memref<40x128xf32, #tpu.memory_space<hbm>>
      tpu.wait_dma2 semaphore(%dma_wait3A_76 : memref<!tpu.dma_semaphore, #tpu.memory_space<semaphore_mem>>) src(%dma_wait3A_82 : memref<40x128xf32, #tpu.memory_space<hbm>>) dst(%dma_wait3A_80 : memref<40x128xf32, #tpu.memory_space<vmem>>)
      %run_scoped3A = arith.constant 0 : i32
      "tpu.region"() ({
        %run_scoped3A_118 = tpu.sem_alloc : memref<!tpu.dma_semaphore, #tpu.memory_space<semaphore_mem>>
        %dma_start3A_119 = arith.constant 0 : i32
        %dma_start3A_120 = arith.constant 0 : i32
        %dma_start3A_121 = tpu.memref_slice %arg7[%run_scoped3A, %dma_start3A_119, %dma_start3A_120] : memref<2x40x128xf32, #tpu.memory_space<vmem>> -> memref<1x40x128xf32, #tpu.memory_space<vmem>>
        %dma_start3A_122 = tpu.memref_squeeze %dma_start3A_121 : memref<1x40x128xf32, #tpu.memory_space<vmem>> -> memref<40x128xf32, #tpu.memory_space<vmem>>
        %dma_start3A_123 = arith.constant 0 : i32
        %dma_start3A_124 = tpu.memref_slice %arg6[%add3A_64, %dma_start3A_123] : memref<250x40xi32, #tpu.memory_space<vmem>> -> memref<1x40xi32, #tpu.memory_space<vmem>>
        %dma_start3A_125 = tpu.memref_squeeze %dma_start3A_124 : memref<1x40xi32, #tpu.memory_space<vmem>> -> memref<40xi32, #tpu.memory_space<vmem>>
        %dma_start3A_126 = arith.constant 0 : i32
        %dma_start3A_127 = arith.constant 0 : i32
        %dma_start3A_128 = tpu.memref_slice %arg8[%dma_start3A_126, %dma_start3A_127] : memref<10240x128xf32, #tpu.memory_space<vmem_shared>> -> memref<10240x128xf32, #tpu.memory_space<vmem_shared>>
        tpu.enqueue_indirect_dma source(%dma_start3A_122 : memref<40x128xf32, #tpu.memory_space<vmem>>) target(%dma_start3A_128 : memref<10240x128xf32, #tpu.memory_space<vmem_shared>>) offsets(%dma_start3A_125 : memref<40xi32, #tpu.memory_space<vmem>>) semaphore(%run_scoped3A_118 : memref<!tpu.dma_semaphore, #tpu.memory_space<semaphore_mem>>) {add = true}
        %dma_wait3A_129 = arith.constant 0 : i32
        %dma_wait3A_130 = arith.constant 0 : i32
        %dma_wait3A_131 = tpu.memref_slice %arg7[%run_scoped3A, %dma_wait3A_129, %dma_wait3A_130] : memref<2x40x128xf32, #tpu.memory_space<vmem>> -> memref<1x40x128xf32, #tpu.memory_space<vmem>>
        %dma_wait3A_132 = tpu.memref_squeeze %dma_wait3A_131 : memref<1x40x128xf32, #tpu.memory_space<vmem>> -> memref<40x128xf32, #tpu.memory_space<vmem>>
        %dma_wait3A_133 = arith.constant 0 : i32
        %dma_wait3A_134 = tpu.memref_slice %arg6[%add3A_64, %dma_wait3A_133] : memref<250x40xi32, #tpu.memory_space<vmem>> -> memref<1x40xi32, #tpu.memory_space<vmem>>
        %dma_wait3A_135 = tpu.memref_squeeze %dma_wait3A_134 : memref<1x40xi32, #tpu.memory_space<vmem>> -> memref<40xi32, #tpu.memory_space<vmem>>
        %dma_wait3A_136 = arith.constant 0 : i32
        %dma_wait3A_137 = arith.constant 0 : i32
        %dma_wait3A_138 = tpu.memref_slice %arg8[%dma_wait3A_136, %dma_wait3A_137] : memref<10240x128xf32, #tpu.memory_space<vmem_shared>> -> memref<10240x128xf32, #tpu.memory_space<vmem_shared>>
        tpu.wait_indirect_dma semaphore(%run_scoped3A_118 : memref<!tpu.dma_semaphore, #tpu.memory_space<semaphore_mem>>) src(%dma_wait3A_132 : memref<40x128xf32, #tpu.memory_space<vmem>>) dst(%dma_wait3A_138 : memref<10240x128xf32, #tpu.memory_space<vmem_shared>>)
        tpu.yield
      }) : () -> ()
      %add3A_83 = arith.constant 2 : i32
      %add3A_84 = arith.addi %add3A_64, %add3A_83 : i32
      %lt3A = arith.constant 250 : i32
      %lt3A_85 = arith.cmpi slt, %add3A_84, %lt3A : i32
      %convert_element_type3A = arith.extui %lt3A_85 : i1 to i32
      %cond3A = arith.constant 0 : i32
      %cond3A_86 = arith.cmpi ne, %convert_element_type3A, %cond3A : i32
      scf.if %cond3A_86 {
        %add3A_118 = arith.addi %mul3A_7, %add3A_84 : i32
        %mul3A_119 = arith.constant 40 : i32
        %mul3A_120 = arith.muli %add3A_118, %mul3A_119 : i32
        %dma_start3A_121 = arith.constant 0 : i32
        %dma_start3A_122 = arith.constant 0 : i32
        %dma_start3A_123 = arith.constant 0 : i32
        %dma_start3A_124 = arith.constant 0 : i32
        %dma_start3A_125 = tpu.memref_slice %arg7[%dma_start3A_121, %dma_start3A_123, %dma_start3A_124] : memref<2x40x128xf32, #tpu.memory_space<vmem>> -> memref<1x40x128xf32, #tpu.memory_space<vmem>>
        %dma_start3A_126 = tpu.memref_squeeze %dma_start3A_125 : memref<1x40x128xf32, #tpu.memory_space<vmem>> -> memref<40x128xf32, #tpu.memory_space<vmem>>
        %dma_start3A_127 = arith.constant 0 : i32
        %dma_start3A_128 = tpu.memref_slice %arg2[%mul3A_120, %dma_start3A_127] : memref<320000x128xf32, #tpu.memory_space<hbm>> -> memref<40x128xf32, #tpu.memory_space<hbm>>
        %dma_start3A_129 = tpu.memref_slice %arg9[%dma_start3A_122] : memref<2x!tpu.dma_semaphore, #tpu.memory_space<semaphore_mem>> -> memref<1x!tpu.dma_semaphore, #tpu.memory_space<semaphore_mem>>
        %dma_start3A_130 = tpu.memref_squeeze %dma_start3A_129 : memref<1x!tpu.dma_semaphore, #tpu.memory_space<semaphore_mem>> -> memref<!tpu.dma_semaphore, #tpu.memory_space<semaphore_mem>>
        %dma_start3A_131 = arith.constant 0 : i32
        %dma_start3A_132 = arith.constant 0 : i32
        %dma_start3A_133 = tpu.memref_slice %arg7[%dma_start3A_121, %dma_start3A_131, %dma_start3A_132] : memref<2x40x128xf32, #tpu.memory_space<vmem>> -> memref<1x40x128xf32, #tpu.memory_space<vmem>>
        %dma_start3A_134 = tpu.memref_squeeze %dma_start3A_133 : memref<1x40x128xf32, #tpu.memory_space<vmem>> -> memref<40x128xf32, #tpu.memory_space<vmem>>
        %dma_start3A_135 = arith.constant 0 : i32
        %dma_start3A_136 = tpu.memref_slice %arg2[%mul3A_120, %dma_start3A_135] : memref<320000x128xf32, #tpu.memory_space<hbm>> -> memref<40x128xf32, #tpu.memory_space<hbm>>
        tpu.enqueue_dma source(%dma_start3A_136 : memref<40x128xf32, #tpu.memory_space<hbm>>) target(%dma_start3A_134 : memref<40x128xf32, #tpu.memory_space<vmem>>) target_semaphore(%dma_start3A_130 : memref<!tpu.dma_semaphore, #tpu.memory_space<semaphore_mem>>)
      } else {
      }
      %mul3A_87 = arith.constant 2 : i32
      %mul3A_88 = arith.muli %scan3A_60, %mul3A_87 : i32
      %add3A_89 = arith.constant 1 : i32
      %add3A_90 = arith.addi %mul3A_88, %add3A_89 : i32
      %add3A_91 = arith.addi %mul3A_7, %add3A_90 : i32
      %mul3A_92 = arith.constant 40 : i32
      %mul3A_93 = arith.muli %add3A_91, %mul3A_92 : i32
      %dma_wait3A_94 = arith.constant 1 : i32
      %dma_wait3A_95 = arith.constant 1 : i32
      %dma_wait3A_96 = arith.constant 0 : i32
      %dma_wait3A_97 = arith.constant 0 : i32
      %dma_wait3A_98 = tpu.memref_slice %arg7[%dma_wait3A_94, %dma_wait3A_96, %dma_wait3A_97] : memref<2x40x128xf32, #tpu.memory_space<vmem>> -> memref<1x40x128xf32, #tpu.memory_space<vmem>>
      %dma_wait3A_99 = tpu.memref_squeeze %dma_wait3A_98 : memref<1x40x128xf32, #tpu.memory_space<vmem>> -> memref<40x128xf32, #tpu.memory_space<vmem>>
      %dma_wait3A_100 = arith.constant 0 : i32
      %dma_wait3A_101 = tpu.memref_slice %arg2[%mul3A_93, %dma_wait3A_100] : memref<320000x128xf32, #tpu.memory_space<hbm>> -> memref<40x128xf32, #tpu.memory_space<hbm>>
      %dma_wait3A_102 = tpu.memref_slice %arg9[%dma_wait3A_95] : memref<2x!tpu.dma_semaphore, #tpu.memory_space<semaphore_mem>> -> memref<1x!tpu.dma_semaphore, #tpu.memory_space<semaphore_mem>>
      %dma_wait3A_103 = tpu.memref_squeeze %dma_wait3A_102 : memref<1x!tpu.dma_semaphore, #tpu.memory_space<semaphore_mem>> -> memref<!tpu.dma_semaphore, #tpu.memory_space<semaphore_mem>>
      %dma_wait3A_104 = arith.constant 0 : i32
      %dma_wait3A_105 = arith.constant 0 : i32
      %dma_wait3A_106 = tpu.memref_slice %arg7[%dma_wait3A_94, %dma_wait3A_104, %dma_wait3A_105] : memref<2x40x128xf32, #tpu.memory_space<vmem>> -> memref<1x40x128xf32, #tpu.memory_space<vmem>>
      %dma_wait3A_107 = tpu.memref_squeeze %dma_wait3A_106 : memref<1x40x128xf32, #tpu.memory_space<vmem>> -> memref<40x128xf32, #tpu.memory_space<vmem>>
      %dma_wait3A_108 = arith.constant 0 : i32
      %dma_wait3A_109 = tpu.memref_slice %arg2[%mul3A_93, %dma_wait3A_108] : memref<320000x128xf32, #tpu.memory_space<hbm>> -> memref<40x128xf32, #tpu.memory_space<hbm>>
      tpu.wait_dma2 semaphore(%dma_wait3A_103 : memref<!tpu.dma_semaphore, #tpu.memory_space<semaphore_mem>>) src(%dma_wait3A_109 : memref<40x128xf32, #tpu.memory_space<hbm>>) dst(%dma_wait3A_107 : memref<40x128xf32, #tpu.memory_space<vmem>>)
      %run_scoped3A_110 = arith.constant 1 : i32
      "tpu.region"() ({
        %run_scoped3A_118 = tpu.sem_alloc : memref<!tpu.dma_semaphore, #tpu.memory_space<semaphore_mem>>
        %dma_start3A_119 = arith.constant 0 : i32
        %dma_start3A_120 = arith.constant 0 : i32
        %dma_start3A_121 = tpu.memref_slice %arg7[%run_scoped3A_110, %dma_start3A_119, %dma_start3A_120] : memref<2x40x128xf32, #tpu.memory_space<vmem>> -> memref<1x40x128xf32, #tpu.memory_space<vmem>>
        %dma_start3A_122 = tpu.memref_squeeze %dma_start3A_121 : memref<1x40x128xf32, #tpu.memory_space<vmem>> -> memref<40x128xf32, #tpu.memory_space<vmem>>
        %dma_start3A_123 = arith.constant 0 : i32
        %dma_start3A_124 = tpu.memref_slice %arg6[%add3A_90, %dma_start3A_123] : memref<250x40xi32, #tpu.memory_space<vmem>> -> memref<1x40xi32, #tpu.memory_space<vmem>>
        %dma_start3A_125 = tpu.memref_squeeze %dma_start3A_124 : memref<1x40xi32, #tpu.memory_space<vmem>> -> memref<40xi32, #tpu.memory_space<vmem>>
        %dma_start3A_126 = arith.constant 0 : i32
        %dma_start3A_127 = arith.constant 0 : i32
        %dma_start3A_128 = tpu.memref_slice %arg8[%dma_start3A_126, %dma_start3A_127] : memref<10240x128xf32, #tpu.memory_space<vmem_shared>> -> memref<10240x128xf32, #tpu.memory_space<vmem_shared>>
        tpu.enqueue_indirect_dma source(%dma_start3A_122 : memref<40x128xf32, #tpu.memory_space<vmem>>) target(%dma_start3A_128 : memref<10240x128xf32, #tpu.memory_space<vmem_shared>>) offsets(%dma_start3A_125 : memref<40xi32, #tpu.memory_space<vmem>>) semaphore(%run_scoped3A_118 : memref<!tpu.dma_semaphore, #tpu.memory_space<semaphore_mem>>) {add = true}
        %dma_wait3A_129 = arith.constant 0 : i32
        %dma_wait3A_130 = arith.constant 0 : i32
        %dma_wait3A_131 = tpu.memref_slice %arg7[%run_scoped3A_110, %dma_wait3A_129, %dma_wait3A_130] : memref<2x40x128xf32, #tpu.memory_space<vmem>> -> memref<1x40x128xf32, #tpu.memory_space<vmem>>
        %dma_wait3A_132 = tpu.memref_squeeze %dma_wait3A_131 : memref<1x40x128xf32, #tpu.memory_space<vmem>> -> memref<40x128xf32, #tpu.memory_space<vmem>>
        %dma_wait3A_133 = arith.constant 0 : i32
        %dma_wait3A_134 = tpu.memref_slice %arg6[%add3A_90, %dma_wait3A_133] : memref<250x40xi32, #tpu.memory_space<vmem>> -> memref<1x40xi32, #tpu.memory_space<vmem>>
        %dma_wait3A_135 = tpu.memref_squeeze %dma_wait3A_134 : memref<1x40xi32, #tpu.memory_space<vmem>> -> memref<40xi32, #tpu.memory_space<vmem>>
        %dma_wait3A_136 = arith.constant 0 : i32
        %dma_wait3A_137 = arith.constant 0 : i32
        %dma_wait3A_138 = tpu.memref_slice %arg8[%dma_wait3A_136, %dma_wait3A_137] : memref<10240x128xf32, #tpu.memory_space<vmem_shared>> -> memref<10240x128xf32, #tpu.memory_space<vmem_shared>>
        tpu.wait_indirect_dma semaphore(%run_scoped3A_118 : memref<!tpu.dma_semaphore, #tpu.memory_space<semaphore_mem>>) src(%dma_wait3A_132 : memref<40x128xf32, #tpu.memory_space<vmem>>) dst(%dma_wait3A_138 : memref<10240x128xf32, #tpu.memory_space<vmem_shared>>)
        tpu.yield
      }) : () -> ()
      %add3A_111 = arith.constant 2 : i32
      %add3A_112 = arith.addi %add3A_90, %add3A_111 : i32
      %lt3A_113 = arith.constant 250 : i32
      %lt3A_114 = arith.cmpi slt, %add3A_112, %lt3A_113 : i32
      %convert_element_type3A_115 = arith.extui %lt3A_114 : i1 to i32
      %cond3A_116 = arith.constant 0 : i32
      %cond3A_117 = arith.cmpi ne, %convert_element_type3A_115, %cond3A_116 : i32
      scf.if %cond3A_117 {
        %add3A_118 = arith.addi %mul3A_7, %add3A_112 : i32
        %mul3A_119 = arith.constant 40 : i32
        %mul3A_120 = arith.muli %add3A_118, %mul3A_119 : i32
        %dma_start3A_121 = arith.constant 1 : i32
        %dma_start3A_122 = arith.constant 1 : i32
        %dma_start3A_123 = arith.constant 0 : i32
        %dma_start3A_124 = arith.constant 0 : i32
        %dma_start3A_125 = tpu.memref_slice %arg7[%dma_start3A_121, %dma_start3A_123, %dma_start3A_124] : memref<2x40x128xf32, #tpu.memory_space<vmem>> -> memref<1x40x128xf32, #tpu.memory_space<vmem>>
        %dma_start3A_126 = tpu.memref_squeeze %dma_start3A_125 : memref<1x40x128xf32, #tpu.memory_space<vmem>> -> memref<40x128xf32, #tpu.memory_space<vmem>>
        %dma_start3A_127 = arith.constant 0 : i32
        %dma_start3A_128 = tpu.memref_slice %arg2[%mul3A_120, %dma_start3A_127] : memref<320000x128xf32, #tpu.memory_space<hbm>> -> memref<40x128xf32, #tpu.memory_space<hbm>>
        %dma_start3A_129 = tpu.memref_slice %arg9[%dma_start3A_122] : memref<2x!tpu.dma_semaphore, #tpu.memory_space<semaphore_mem>> -> memref<1x!tpu.dma_semaphore, #tpu.memory_space<semaphore_mem>>
        %dma_start3A_130 = tpu.memref_squeeze %dma_start3A_129 : memref<1x!tpu.dma_semaphore, #tpu.memory_space<semaphore_mem>> -> memref<!tpu.dma_semaphore, #tpu.memory_space<semaphore_mem>>
        %dma_start3A_131 = arith.constant 0 : i32
        %dma_start3A_132 = arith.constant 0 : i32
        %dma_start3A_133 = tpu.memref_slice %arg7[%dma_start3A_121, %dma_start3A_131, %dma_start3A_132] : memref<2x40x128xf32, #tpu.memory_space<vmem>> -> memref<1x40x128xf32, #tpu.memory_space<vmem>>
        %dma_start3A_134 = tpu.memref_squeeze %dma_start3A_133 : memref<1x40x128xf32, #tpu.memory_space<vmem>> -> memref<40x128xf32, #tpu.memory_space<vmem>>
        %dma_start3A_135 = arith.constant 0 : i32
        %dma_start3A_136 = tpu.memref_slice %arg2[%mul3A_120, %dma_start3A_135] : memref<320000x128xf32, #tpu.memory_space<hbm>> -> memref<40x128xf32, #tpu.memory_space<hbm>>
        tpu.enqueue_dma source(%dma_start3A_136 : memref<40x128xf32, #tpu.memory_space<hbm>>) target(%dma_start3A_134 : memref<40x128xf32, #tpu.memory_space<vmem>>) target_semaphore(%dma_start3A_130 : memref<!tpu.dma_semaphore, #tpu.memory_space<semaphore_mem>>)
      } else {
      }
    }
    %scan3A_52 = arith.constant 125 : i32
    %barrier3A_53 = arith.constant 0 : index
    tpu.barrier barrier_id(%barrier3A_53)
    %scan3A_54 = arith.constant 0 : i32
    %scan3A_55 = arith.constant 0 : i32
    %scan3A_56 = arith.constant 5 : i32
    %scan3A_57 = arith.addi %scan3A_55, %scan3A_56 : i32
    %scan3A_58 = arith.constant 1 : i32
    scf.for %scan3A_60 = %scan3A_55 to %scan3A_57 step %scan3A_58  : i32 {
      %mul3A_61 = arith.constant 640 : i32
      %mul3A_62 = arith.muli %arg1, %mul3A_61 : i32
      %mul3A_63 = arith.constant 128 : i32
      %mul3A_64 = arith.muli %scan3A_60, %mul3A_63 : i32
      %add3A_65 = arith.addi %mul3A_62, %mul3A_64 : i32
      "tpu.region"() ({
        %run_scoped3A = tpu.sem_alloc : memref<!tpu.dma_semaphore, #tpu.memory_space<semaphore_mem>>
        %dma_start3A_66 = arith.constant 0 : i32
        %dma_start3A_67 = tpu.memref_slice %arg5[%arg0, %add3A_65, %dma_start3A_66] : memref<2x10240x128xf32, #tpu.memory_space<hbm>> -> memref<1x128x128xf32, #tpu.memory_space<hbm>>
        %dma_start3A_68 = tpu.memref_squeeze %dma_start3A_67 : memref<1x128x128xf32, #tpu.memory_space<hbm>> -> memref<128x128xf32, #tpu.memory_space<hbm>>
        %dma_start3A_69 = arith.constant 0 : i32
        %dma_start3A_70 = tpu.memref_slice %arg8[%add3A_65, %dma_start3A_69] : memref<10240x128xf32, #tpu.memory_space<vmem_shared>> -> memref<128x128xf32, #tpu.memory_space<vmem_shared>>
        tpu.enqueue_dma source(%dma_start3A_70 : memref<128x128xf32, #tpu.memory_space<vmem_shared>>) target(%dma_start3A_68 : memref<128x128xf32, #tpu.memory_space<hbm>>) target_semaphore(%run_scoped3A : memref<!tpu.dma_semaphore, #tpu.memory_space<semaphore_mem>>)
        %dma_wait3A = arith.constant 0 : i32
        %dma_wait3A_71 = tpu.memref_slice %arg5[%arg0, %add3A_65, %dma_wait3A] : memref<2x10240x128xf32, #tpu.memory_space<hbm>> -> memref<1x128x128xf32, #tpu.memory_space<hbm>>
        %dma_wait3A_72 = tpu.memref_squeeze %dma_wait3A_71 : memref<1x128x128xf32, #tpu.memory_space<hbm>> -> memref<128x128xf32, #tpu.memory_space<hbm>>
        %dma_wait3A_73 = arith.constant 0 : i32
        %dma_wait3A_74 = tpu.memref_slice %arg8[%add3A_65, %dma_wait3A_73] : memref<10240x128xf32, #tpu.memory_space<vmem_shared>> -> memref<128x128xf32, #tpu.memory_space<vmem_shared>>
        tpu.wait_dma2 semaphore(%run_scoped3A : memref<!tpu.dma_semaphore, #tpu.memory_space<semaphore_mem>>) src(%dma_wait3A_74 : memref<128x128xf32, #tpu.memory_space<vmem_shared>>) dst(%dma_wait3A_72 : memref<128x128xf32, #tpu.memory_space<hbm>>)
        tpu.yield
      }) : () -> ()
    }
    %scan3A_59 = arith.constant 5 : i32
    return
  }
}

module attributes {stable_mosaic.version = 14 : i64} {
  func.func @_xa_body(%arg0: i32, %arg1: memref<1000x128xf32, #tpu.memory_space<vmem>>, %arg2: memref<128x128xf32, #tpu.memory_space<vmem>>, %arg3: memref<1000x128xf32, #tpu.memory_space<vmem>>) attributes {dimension_semantics = [#tpu.dimension_semantics<arbitrary>], iteration_bounds = array<i64: 10>, scalar_prefetch = 0 : i64, scratch_operands = 0 : i64, tpu.core_type = #tpu.core_type<tc>, window_params = [{transform_indices = @transform_0, window_bounds = array<i64: 1000, 128>}, {pipeline_mode = #tpu.pipeline_mode<synchronous>, transform_indices = @transform_1, window_bounds = array<i64: 128, 128>}, {transform_indices = @transform_2, window_bounds = array<i64: 1000, 128>}]} {
    %get3A = arith.constant 0 : index
    %get3A_0 = arith.constant 0 : index
    %get3A_1 = vector.load %arg1[%get3A, %get3A_0] : memref<1000x128xf32, #tpu.memory_space<vmem>>, vector<1000x128xf32>
    %get3A_2 = arith.constant 0 : index
    %get3A_3 = arith.constant 0 : index
    %get3A_4 = vector.load %arg2[%get3A_2, %get3A_3] : memref<128x128xf32, #tpu.memory_space<vmem>>, vector<128x128xf32>
    %dot_general3A = arith.constant dense<0.000000e+00> : vector<1000x128xf32>
    %dot_general3A_5 = tpu.matmul %get3A_1, %get3A_4, %dot_general3A {dimension_numbers = #tpu.dot_dimension_numbers<[1], [0], [0], [1], [0, 0, 1, 1], [], []>, transpose_lhs_hint = false} : vector<1000x128xf32>, vector<128x128xf32>, vector<1000x128xf32> -> vector<1000x128xf32>
    %swap3A = arith.constant 0 : index
    %swap3A_6 = arith.constant 0 : index
    %swap3A_7 = vector.load %arg3[%swap3A, %swap3A_6] : memref<1000x128xf32, #tpu.memory_space<vmem>>, vector<1000x128xf32>
    tpu.vector_store %arg3[%swap3A, %swap3A_6], %dot_general3A_5 {strides = array<i32>} : memref<1000x128xf32, #tpu.memory_space<vmem>>, vector<1000x128xf32>,
    return
  }
  func.func @transform_0(%arg0: i32) -> (i32, i32) {
    %c0_i32 = arith.constant 0 : i32
    %c0_i32_0 = arith.constant 0 : i32
    return %arg0, %c0_i32 : i32, i32
  }
  func.func @transform_1(%arg0: i32) -> (i32, i32) {
    %c0_i32 = arith.constant 0 : i32
    %c0_i32_0 = arith.constant 0 : i32
    %c0_i32_1 = arith.constant 0 : i32
    return %c0_i32, %c0_i32_0 : i32, i32
  }
  func.func @transform_2(%arg0: i32) -> (i32, i32) {
    %c0_i32 = arith.constant 0 : i32
    %c0_i32_0 = arith.constant 0 : i32
    return %arg0, %c0_i32 : i32, i32
  }
}

module attributes {stable_mosaic.version = 14 : i64} {
  func.func @_msg_body(%arg0: i32, %arg1: memref<1280x128xf32, #tpu.memory_space<vmem>>, %arg2: memref<1280x16xf32, #tpu.memory_space<vmem>>, %arg3: memref<1280x1xf32, #tpu.memory_space<vmem>>, %arg4: memref<16x32xf32, #tpu.memory_space<vmem>>, %arg5: memref<1x32xf32, #tpu.memory_space<vmem>>, %arg6: memref<32x128xf32, #tpu.memory_space<vmem>>, %arg7: memref<1x128xf32, #tpu.memory_space<vmem>>, %arg8: memref<1x128xf32, #tpu.memory_space<vmem>>, %arg9: memref<1x128xf32, #tpu.memory_space<vmem>>, %arg10: memref<128x128xbf16, #tpu.memory_space<vmem>>, %arg11: memref<1x128xf32, #tpu.memory_space<vmem>>, %arg12: memref<128x128xbf16, #tpu.memory_space<vmem>>, %arg13: memref<1x128xf32, #tpu.memory_space<vmem>>, %arg14: memref<1280x128xf32, #tpu.memory_space<vmem>>) attributes {dimension_semantics = [#tpu.dimension_semantics<arbitrary>], iteration_bounds = array<i64: 250>, scalar_prefetch = 0 : i64, scratch_operands = 0 : i64, tpu.core_type = #tpu.core_type<tc>, window_params = [{transform_indices = @transform_0, window_bounds = array<i64: 1280, 128>}, {transform_indices = @transform_1, window_bounds = array<i64: 1280, 16>}, {transform_indices = @transform_2, window_bounds = array<i64: 1280, 1>}, {pipeline_mode = #tpu.pipeline_mode<synchronous>, transform_indices = @transform_3, window_bounds = array<i64: 16, 32>}, {pipeline_mode = #tpu.pipeline_mode<synchronous>, transform_indices = @transform_4, window_bounds = array<i64: 1, 32>}, {pipeline_mode = #tpu.pipeline_mode<synchronous>, transform_indices = @transform_5, window_bounds = array<i64: 32, 128>}, {pipeline_mode = #tpu.pipeline_mode<synchronous>, transform_indices = @transform_6, window_bounds = array<i64: 1, 128>}, {pipeline_mode = #tpu.pipeline_mode<synchronous>, transform_indices = @transform_7, window_bounds = array<i64: 1, 128>}, {pipeline_mode = #tpu.pipeline_mode<synchronous>, transform_indices = @transform_8, window_bounds = array<i64: 1, 128>}, {pipeline_mode = #tpu.pipeline_mode<synchronous>, transform_indices = @transform_9, window_bounds = array<i64: 128, 128>}, {pipeline_mode = #tpu.pipeline_mode<synchronous>, transform_indices = @transform_10, window_bounds = array<i64: 1, 128>}, {pipeline_mode = #tpu.pipeline_mode<synchronous>, transform_indices = @transform_11, window_bounds = array<i64: 128, 128>}, {pipeline_mode = #tpu.pipeline_mode<synchronous>, transform_indices = @transform_12, window_bounds = array<i64: 1, 128>}, {transform_indices = @transform_13, window_bounds = array<i64: 1280, 128>}]} {
    %get3A = arith.constant 0 : index
    %get3A_0 = arith.constant 0 : index
    %get3A_1 = vector.load %arg2[%get3A, %get3A_0] : memref<1280x16xf32, #tpu.memory_space<vmem>>, vector<1280x16xf32>
    %get3A_2 = arith.constant 0 : index
    %get3A_3 = arith.constant 0 : index
    %get3A_4 = vector.load %arg4[%get3A_2, %get3A_3] : memref<16x32xf32, #tpu.memory_space<vmem>>, vector<16x32xf32>
    %dot_general3A = arith.constant dense<0.000000e+00> : vector<1280x32xf32>
    %dot_general3A_5 = tpu.matmul %get3A_1, %get3A_4, %dot_general3A {dimension_numbers = #tpu.dot_dimension_numbers<[1], [0], [0], [1], [0, 0, 1, 1], [], []>, transpose_lhs_hint = false} : vector<1280x16xf32>, vector<16x32xf32>, vector<1280x32xf32> -> vector<1280x32xf32>
    %get3A_6 = arith.constant 0 : index
    %get3A_7 = arith.constant 0 : index
    %get3A_8 = vector.load %arg5[%get3A_6, %get3A_7] : memref<1x32xf32, #tpu.memory_space<vmem>>, vector<1x32xf32>
    %add3A = vector.broadcast %get3A_8 : vector<1x32xf32> to vector<1280x32xf32>
    %add3A_9 = arith.addf %dot_general3A_5, %add3A : vector<1280x32xf32>
    %max3A = arith.constant 0.000000e+00 : f32
    %max3A_10 = vector.broadcast %max3A : f32 to vector<1280x32xf32>
    %max3A_11 = arith.maximumf %add3A_9, %max3A_10 : vector<1280x32xf32>
    %get3A_12 = arith.constant 0 : index
    %get3A_13 = arith.constant 0 : index
    %get3A_14 = vector.load %arg6[%get3A_12, %get3A_13] : memref<32x128xf32, #tpu.memory_space<vmem>>, vector<32x128xf32>
    %dot_general3A_15 = arith.constant dense<0.000000e+00> : vector<1280x128xf32>
    %dot_general3A_16 = tpu.matmul %max3A_11, %get3A_14, %dot_general3A_15 {dimension_numbers = #tpu.dot_dimension_numbers<[1], [0], [0], [1], [0, 0, 1, 1], [], []>, transpose_lhs_hint = false} : vector<1280x32xf32>, vector<32x128xf32>, vector<1280x128xf32> -> vector<1280x128xf32>
    %get3A_17 = arith.constant 0 : index
    %get3A_18 = arith.constant 0 : index
    %get3A_19 = vector.load %arg7[%get3A_17, %get3A_18] : memref<1x128xf32, #tpu.memory_space<vmem>>, vector<1x128xf32>
    %add3A_20 = vector.broadcast %get3A_19 : vector<1x128xf32> to vector<1280x128xf32>
    %add3A_21 = arith.addf %dot_general3A_16, %add3A_20 : vector<1280x128xf32>
    %get3A_22 = arith.constant 0 : index
    %get3A_23 = arith.constant 0 : index
    %get3A_24 = vector.load %arg3[%get3A_22, %get3A_23] : memref<1280x1xf32, #tpu.memory_space<vmem>>, vector<1280x1xf32>
    %get3A_25 = arith.constant 0 : index
    %get3A_26 = arith.constant 0 : index
    %get3A_27 = vector.load %arg8[%get3A_25, %get3A_26] : memref<1x128xf32, #tpu.memory_space<vmem>>, vector<1x128xf32>
    %mul3A = vector.broadcast %get3A_24 : vector<1280x1xf32> to vector<1280x128xf32>
    %mul3A_28 = vector.broadcast %get3A_27 : vector<1x128xf32> to vector<1280x128xf32>
    %mul3A_29 = arith.mulf %mul3A, %mul3A_28 : vector<1280x128xf32>
    %get3A_30 = arith.constant 0 : index
    %get3A_31 = arith.constant 0 : index
    %get3A_32 = vector.load %arg9[%get3A_30, %get3A_31] : memref<1x128xf32, #tpu.memory_space<vmem>>, vector<1x128xf32>
    %add3A_33 = vector.broadcast %get3A_32 : vector<1x128xf32> to vector<1280x128xf32>
    %add3A_34 = arith.addf %mul3A_29, %add3A_33 : vector<1280x128xf32>
    %neg3A = arith.constant 0.000000e+00 : f32
    %neg3A_35 = vector.broadcast %neg3A : f32 to vector<1280x128xf32>
    %neg3A_36 = arith.subf %neg3A_35, %add3A_34 : vector<1280x128xf32>
    %exp3A = math.exp %neg3A_36 : vector<1280x128xf32>
    %add3A_37 = arith.constant 1.000000e+00 : f32
    %add3A_38 = vector.broadcast %add3A_37 : f32 to vector<1280x128xf32>
    %add3A_39 = arith.addf %add3A_38, %exp3A : vector<1280x128xf32>
    %div3A = arith.constant 1.000000e+00 : f32
    %div3A_40 = vector.broadcast %div3A : f32 to vector<1280x128xf32>
    %div3A_41 = arith.divf %div3A_40, %add3A_39 : vector<1280x128xf32>
    %mul3A_42 = arith.mulf %add3A_21, %div3A_41 : vector<1280x128xf32>
    %get3A_43 = arith.constant 0 : index
    %get3A_44 = arith.constant 0 : index
    %get3A_45 = vector.load %arg1[%get3A_43, %get3A_44] : memref<1280x128xf32, #tpu.memory_space<vmem>>, vector<1280x128xf32>
    %convert_element_type3A = arith.truncf %mul3A_42 : vector<1280x128xf32> to vector<1280x128xbf16>
    %get3A_46 = arith.constant 0 : index
    %get3A_47 = arith.constant 0 : index
    %get3A_48 = vector.load %arg10[%get3A_46, %get3A_47] : memref<128x128xbf16, #tpu.memory_space<vmem>>, vector<128x128xbf16>
    %dot_general3A_49 = arith.constant dense<0.000000e+00> : vector<1280x128xf32>
    %dot_general3A_50 = tpu.matmul %convert_element_type3A, %get3A_48, %dot_general3A_49 {dimension_numbers = #tpu.dot_dimension_numbers<[1], [0], [0], [1], [0, 0, 1, 1], [], []>, transpose_lhs_hint = false} : vector<1280x128xbf16>, vector<128x128xbf16>, vector<1280x128xf32> -> vector<1280x128xf32>
    %add3A_51 = arith.addf %get3A_45, %dot_general3A_50 : vector<1280x128xf32>
    %get3A_52 = arith.constant 0 : index
    %get3A_53 = arith.constant 0 : index
    %get3A_54 = vector.load %arg11[%get3A_52, %get3A_53] : memref<1x128xf32, #tpu.memory_space<vmem>>, vector<1x128xf32>
    %add3A_55 = vector.broadcast %get3A_54 : vector<1x128xf32> to vector<1280x128xf32>
    %add3A_56 = arith.addf %add3A_51, %add3A_55 : vector<1280x128xf32>
    %max3A_57 = arith.constant 0.000000e+00 : f32
    %max3A_58 = vector.broadcast %max3A_57 : f32 to vector<1280x128xf32>
    %max3A_59 = arith.maximumf %add3A_56, %max3A_58 : vector<1280x128xf32>
    %convert_element_type3A_60 = arith.truncf %max3A_59 : vector<1280x128xf32> to vector<1280x128xbf16>
    %get3A_61 = arith.constant 0 : index
    %get3A_62 = arith.constant 0 : index
    %get3A_63 = vector.load %arg12[%get3A_61, %get3A_62] : memref<128x128xbf16, #tpu.memory_space<vmem>>, vector<128x128xbf16>
    %dot_general3A_64 = arith.constant dense<0.000000e+00> : vector<1280x128xf32>
    %dot_general3A_65 = tpu.matmul %convert_element_type3A_60, %get3A_63, %dot_general3A_64 {dimension_numbers = #tpu.dot_dimension_numbers<[1], [0], [0], [1], [0, 0, 1, 1], [], []>, transpose_lhs_hint = false} : vector<1280x128xbf16>, vector<128x128xbf16>, vector<1280x128xf32> -> vector<1280x128xf32>
    %get3A_66 = arith.constant 0 : index
    %get3A_67 = arith.constant 0 : index
    %get3A_68 = vector.load %arg13[%get3A_66, %get3A_67] : memref<1x128xf32, #tpu.memory_space<vmem>>, vector<1x128xf32>
    %add3A_69 = vector.broadcast %get3A_68 : vector<1x128xf32> to vector<1280x128xf32>
    %add3A_70 = arith.addf %dot_general3A_65, %add3A_69 : vector<1280x128xf32>
    %swap3A = arith.constant 0 : index
    %swap3A_71 = arith.constant 0 : index
    %swap3A_72 = vector.load %arg14[%swap3A, %swap3A_71] : memref<1280x128xf32, #tpu.memory_space<vmem>>, vector<1280x128xf32>
    tpu.vector_store %arg14[%swap3A, %swap3A_71], %add3A_70 {strides = array<i32>} : memref<1280x128xf32, #tpu.memory_space<vmem>>, vector<1280x128xf32>,
    return
  }
  func.func @transform_0(%arg0: i32) -> (i32, i32) {
    %c0_i32 = arith.constant 0 : i32
    %c0_i32_0 = arith.constant 0 : i32
    return %arg0, %c0_i32 : i32, i32
  }
  func.func @transform_1(%arg0: i32) -> (i32, i32) {
    %c0_i32 = arith.constant 0 : i32
    %c0_i32_0 = arith.constant 0 : i32
    return %arg0, %c0_i32 : i32, i32
  }
  func.func @transform_2(%arg0: i32) -> (i32, i32) {
    %c0_i32 = arith.constant 0 : i32
    %c0_i32_0 = arith.constant 0 : i32
    return %arg0, %c0_i32 : i32, i32
  }
  func.func @transform_3(%arg0: i32) -> (i32, i32) {
    %c0_i32 = arith.constant 0 : i32
    %c0_i32_0 = arith.constant 0 : i32
    %c0_i32_1 = arith.constant 0 : i32
    return %c0_i32, %c0_i32_0 : i32, i32
  }
  func.func @transform_4(%arg0: i32) -> (i32, i32) {
    %c0_i32 = arith.constant 0 : i32
    %c0_i32_0 = arith.constant 0 : i32
    %c0_i32_1 = arith.constant 0 : i32
    return %c0_i32, %c0_i32_0 : i32, i32
  }
  func.func @transform_5(%arg0: i32) -> (i32, i32) {
    %c0_i32 = arith.constant 0 : i32
    %c0_i32_0 = arith.constant 0 : i32
    %c0_i32_1 = arith.constant 0 : i32
    return %c0_i32, %c0_i32_0 : i32, i32
  }
  func.func @transform_6(%arg0: i32) -> (i32, i32) {
    %c0_i32 = arith.constant 0 : i32
    %c0_i32_0 = arith.constant 0 : i32
    %c0_i32_1 = arith.constant 0 : i32
    return %c0_i32, %c0_i32_0 : i32, i32
  }
  func.func @transform_7(%arg0: i32) -> (i32, i32) {
    %c0_i32 = arith.constant 0 : i32
    %c0_i32_0 = arith.constant 0 : i32
    %c0_i32_1 = arith.constant 0 : i32
    return %c0_i32, %c0_i32_0 : i32, i32
  }
  func.func @transform_8(%arg0: i32) -> (i32, i32) {
    %c0_i32 = arith.constant 0 : i32
    %c0_i32_0 = arith.constant 0 : i32
    %c0_i32_1 = arith.constant 0 : i32
    return %c0_i32, %c0_i32_0 : i32, i32
  }
  func.func @transform_9(%arg0: i32) -> (i32, i32) {
    %c0_i32 = arith.constant 0 : i32
    %c0_i32_0 = arith.constant 0 : i32
    %c0_i32_1 = arith.constant 0 : i32
    return %c0_i32, %c0_i32_0 : i32, i32
  }
  func.func @transform_10(%arg0: i32) -> (i32, i32) {
    %c0_i32 = arith.constant 0 : i32
    %c0_i32_0 = arith.constant 0 : i32
    %c0_i32_1 = arith.constant 0 : i32
    return %c0_i32, %c0_i32_0 : i32, i32
  }
  func.func @transform_11(%arg0: i32) -> (i32, i32) {
    %c0_i32 = arith.constant 0 : i32
    %c0_i32_0 = arith.constant 0 : i32
    %c0_i32_1 = arith.constant 0 : i32
    return %c0_i32, %c0_i32_0 : i32, i32
  }
  func.func @transform_12(%arg0: i32) -> (i32, i32) {
    %c0_i32 = arith.constant 0 : i32
    %c0_i32_0 = arith.constant 0 : i32
    %c0_i32_1 = arith.constant 0 : i32
    return %c0_i32, %c0_i32_0 : i32, i32
  }
  func.func @transform_13(%arg0: i32) -> (i32, i32) {
    %c0_i32 = arith.constant 0 : i32
    %c0_i32_0 = arith.constant 0 : i32
    return %arg0, %c0_i32 : i32, i32
  }
}

module attributes {stable_mosaic.version = 14 : i64} {
  func.func @_combine_body(%arg0: i32, %arg1: memref<2x1000x128xf32, #tpu.memory_space<vmem>>, %arg2: memref<1000x128xf32, #tpu.memory_space<vmem>>, %arg3: memref<1000x128xf32, #tpu.memory_space<vmem>>) attributes {dimension_semantics = [#tpu.dimension_semantics<arbitrary>], iteration_bounds = array<i64: 10>, scalar_prefetch = 0 : i64, scratch_operands = 0 : i64, tpu.core_type = #tpu.core_type<tc>, window_params = [{transform_indices = @transform_0, window_bounds = array<i64: 2, 1000, 128>}, {transform_indices = @transform_1, window_bounds = array<i64: 1000, 128>}, {transform_indices = @transform_2, window_bounds = array<i64: 1000, 128>}]} {
    %get3A = arith.constant 0 : index
    %get3A_0 = arith.constant 0 : index
    %get3A_1 = vector.load %arg2[%get3A, %get3A_0] : memref<1000x128xf32, #tpu.memory_space<vmem>>, vector<1000x128xf32>
    %get3A_2 = arith.constant 0 : index
    %get3A_3 = arith.constant 0 : index
    %get3A_4 = arith.constant 0 : index
    %get3A_5 = vector.load %arg1[%get3A_2, %get3A_3, %get3A_4] : memref<2x1000x128xf32, #tpu.memory_space<vmem>>, vector<1x1000x128xf32>
    %get3A_6 = vector.shape_cast %get3A_5 : vector<1x1000x128xf32> to vector<1000x128xf32>
    %add3A = arith.addf %get3A_1, %get3A_6 : vector<1000x128xf32>
    %get3A_7 = arith.constant 1 : index
    %get3A_8 = arith.constant 0 : index
    %get3A_9 = arith.constant 0 : index
    %get3A_10 = vector.load %arg1[%get3A_7, %get3A_8, %get3A_9] : memref<2x1000x128xf32, #tpu.memory_space<vmem>>, vector<1x1000x128xf32>
    %get3A_11 = vector.shape_cast %get3A_10 : vector<1x1000x128xf32> to vector<1000x128xf32>
    %add3A_12 = arith.addf %add3A, %get3A_11 : vector<1000x128xf32>
    %swap3A = arith.constant 0 : index
    %swap3A_13 = arith.constant 0 : index
    %swap3A_14 = vector.load %arg3[%swap3A, %swap3A_13] : memref<1000x128xf32, #tpu.memory_space<vmem>>, vector<1000x128xf32>
    tpu.vector_store %arg3[%swap3A, %swap3A_13], %add3A_12 {strides = array<i32>} : memref<1000x128xf32, #tpu.memory_space<vmem>>, vector<1000x128xf32>,
    return
  }
  func.func @transform_0(%arg0: i32) -> (i32, i32, i32) {
    %c0_i32 = arith.constant 0 : i32
    %c0_i32_0 = arith.constant 0 : i32
    %c0_i32_1 = arith.constant 0 : i32
    return %c0_i32, %arg0, %c0_i32_0 : i32, i32, i32
  }
  func.func @transform_1(%arg0: i32) -> (i32, i32) {
    %c0_i32 = arith.constant 0 : i32
    %c0_i32_0 = arith.constant 0 : i32
    return %arg0, %c0_i32 : i32, i32
  }
  func.func @transform_2(%arg0: i32) -> (i32, i32) {
    %c0_i32 = arith.constant 0 : i32
    %c0_i32_0 = arith.constant 0 : i32
    return %arg0, %c0_i32 : i32, i32
  }
}

</mosaic_0001>

<sc_bundles>
// kernel: kernel.10.cloned.1.call-start
scs
__scs_entry_jumppad:
0x0: {  	(pc) =	sbr.rel $0x88, $3  }
0x1: {  	(tag) =	ssettag $0x0;
	lr =	simm.s32 $0x1  }
0x2: {  	[smem:$0x3F93] =	sst lr;
	_ =	strace $0xD0000000  }
0x3: {  	_ = 	snop  }
0x4: {  	_ = 	snop  }
0x5: {  	_ = 	snop  }
0x6: {  	_ = 	snop  }
0x7: {  	_ = 	snop  }
__scs_overlays_trampoline_lowered:
0x8: {  	[smem:$0x3FA2] =	sst s0  }
0x9: {  	[smem:$0x3FA3] =	sst s1  }
0xa: {  	[smem:$0x3FA4] =	sst s2  }
0xb: {  	[smem:$0x3FA5] =	sst s3  }
0xc: {  	[smem:$0x3FA6] =	sst s4  }
0xd: {  	[smem:$0x3FA7] =	sst s5  }
0xe: {  	[smem:$0x3FA8] =	sst s6  }
0xf: {  	[smem:$0x3FA9] =	sst s7  }
0x10: {  	[smem:$0x3FAA] =	sst s8  }
0x11: {  	[smem:$0x3FAB] =	sst s9;
	s0 =	simm.s32 @!p0 $0x0  }
0x12: {  	s1 =	sld [smem:$0x3F91];
	s0 =	simm.s32 @p0 $0x1  }
0x13: {  	[smem:$0x3FAC] =	sst s0;
	s0 =	simm.s32 @!p1 $0x0  }
0x14: {  	s2 =	sld [smem:$0x3F90];
	s0 =	simm.s32 @p1 $0x1  }
0x15: {  	[smem:$0x3FAD] =	sst s0;
	s0 =	simm.s32 @!p2 $0x0  }
0x16: {  	s3 =	sld [smem:$0x3FDB];
	s0 =	simm.s32 @p2 $0x1  }
0x17: {  	s4 =	simm.s32 $0x1BF5;
	[smem:$0x3FAF] =	sst s0  }
0x18: {  	s0 =	sld [smem:$0x3F92];
	_ =	swait.ge [sflag:s4], $0x0  }
0x19: {  	s7 =	sld [smem:$0x3F93]  }
0x1a: {  	s8 =	sadd.s32 $0xFFFFE003, lr  }
0x1b: {  	s9 =	sadd.s32 $0xFFFFFEF7, lr;
	s5 =	simm.s32 $0xFFFFFFFF;
	p2 =	slt.u32 s8, $0xFFFFF086  }
0x1c: {  	p1 =	slt.u32 s9, $0xF7A;
	s5 =	simm.s32 @!p2 $0x0  }
0x1d: {  	s5 =	simm.s32 @p1 $0x1;
	p0 =	seq.s32 s7, s2  }
0x1e: {  	s7 =	smul.u32 @!p0 $0xF7A, s2;
	p2 =	seq.s32 @!p0 s5, $0x0  }
0x1f: {  	s9 =	smul.u32 $0xF7A, s1;
	s8 =	simm.s32 @!p0 $0x1BF5;
	p2 =	por !p2, p0  }
0x20: {  	[sflag:s8] =	ssyncset.s32 @!p0 $0xFFFFF086;
	s6 =	sadd.s32 @!p0 s3, s7;
	s7 =	simm.s32 @!p0 $0x108  }
0x21: {  	s3 =	sadd.s32 s3, s9;
	s6 =	sadd.s32 @!p0 $0x88, s6;
	s7 =	simm.s32 @p2 $0x1082  }
0x22: {  	[simem:s7], [sflag:s8] =	dma.local @!p0 [hbm:s6], $0xF7A  }
0x23: {  	s9 =	sor.u32 $0xD0000000, s2;
	s6 =	simm.s32 $0x108;
	_ =	swait.ge @!p0 [sflag:s8], $0x0  }
0x24: {  	s3 =	sadd.s32 $0x88, s3;
	s6 =	simm.s32 @!p1 $0x1082;
	[sflag:s4] =	ssyncset.s32 $0xFFFFF086  }
0x25: {  	[simem:s6], [sflag:s4] =	dma.local [hbm:s3], $0xF7A  }
0x26: {  	[smem:$0x3F93] =	sst s1;
	(tag) =	ssettag s2;
	_ =	strace s9  }
0x27: {  	s1 =	sld [smem:$0x3FA3]  }
0x28: {  	s2 =	sld [smem:$0x3FA4]  }
0x29: {  	s4 =	sld [smem:$0x3FA6]  }
0x2a: {  	p0 =	seq.s32 s5, $0x0;
	s5 =	sld [smem:$0x3FA7]  }
0x2b: {  	s6 =	sld [smem:$0x3FA8]  }
0x2c: {  	s7 =	sld [smem:$0x3FA9]  }
0x2d: {  	s3 =	simm.s32 $0x108;
	s8 =	sld [smem:$0x3FAA]  }
0x2e: {  	s3 =	simm.s32 @!p0 $0x1082;
	s9 =	sld [smem:$0x3FAB]  }
0x2f: {  	lr =	sadd.s32 s0, s3;
	s0 =	sld [smem:$0x3FA2]  }
0x30: {  	s3 =	sld [smem:$0x3FA5]  }
0x31: {  	[smem:$0x3FAE] =	sst s10  }
0x32: {  	s10 =	sld [smem:$0x3FAC];
	_ =	sdelay $0x3  }
0x33: {  	p0 =	seq.s32 s10, $0x1;
	s10 =	sld [smem:$0x3FAE];
	_ =	sdelay $0x3  }
0x34: {  	[smem:$0x3FAE] =	sst s10  }
0x35: {  	s10 =	sld [smem:$0x3FAD];
	_ =	sdelay $0x3  }
0x36: {  	p1 =	seq.s32 s10, $0x1;
	s10 =	sld [smem:$0x3FAE];
	_ =	sdelay $0x3  }
0x37: {  	[smem:$0x3FAE] =	sst s10  }
0x38: {  	s10 =	sld [smem:$0x3FAF]  }
0x39: {  	_ = 	snop;
	(pc) =	sbr.ind lr, $3  }
0x3a: {  	_ = 	snop  }
0x3b: {  	_ = 	snop  }
0x3c: {  	p2 =	seq.s32 s10, $0x1;
	s10 =	sld [smem:$0x3FAE]  }
0x3d: {  	_ =	shalt  }
0x3e: {  	_ =	shalt  }
0x3f: {  	_ =	shalt  }
0x40: {  	_ =	shalt  }
0x41: {  	_ =	shalt  }
0x42: {  	_ =	shalt  }
0x43: {  	_ =	shalt  }
0x44: {  	_ =	shalt  }
0x45: {  	_ =	shalt  }
0x46: {  	_ =	shalt  }
0x47: {  	_ =	shalt  }
0x48: {  	_ =	shalt  }
0x49: {  	_ =	shalt  }
0x4a: {  	_ =	shalt  }
0x4b: {  	_ =	shalt  }
0x4c: {  	_ =	shalt  }
0x4d: {  	_ =	shalt  }
0x4e: {  	_ =	shalt  }
0x4f: {  	_ =	shalt  }
0x50: {  	_ =	shalt  }
0x51: {  	_ =	shalt  }
0x52: {  	_ =	shalt  }
0x53: {  	_ =	shalt  }
0x54: {  	_ =	shalt  }
0x55: {  	_ =	shalt  }
0x56: {  	_ =	shalt  }
0x57: {  	_ =	shalt  }
0x58: {  	_ =	shalt  }
0x59: {  	_ =	shalt  }
0x5a: {  	_ =	shalt  }
0x5b: {  	_ =	shalt  }
0x5c: {  	_ =	shalt  }
0x5d: {  	_ =	shalt  }
0x5e: {  	_ =	shalt  }
0x5f: {  	_ =	shalt  }
0x60: {  	_ =	shalt  }
0x61: {  	_ =	shalt  }
0x62: {  	_ =	shalt  }
0x63: {  	_ =	shalt  }
0x64: {  	_ =	shalt  }
0x65: {  	_ =	shalt  }
0x66: {  	_ =	shalt  }
0x67: {  	_ =	shalt  }
0x68: {  	_ =	shalt  }
0x69: {  	_ =	shalt  }
0x6a: {  	_ =	shalt  }
0x6b: {  	_ =	shalt  }
0x6c: {  	_ =	shalt  }
0x6d: {  	_ =	shalt  }
0x6e: {  	_ =	shalt  }
0x6f: {  	_ =	shalt  }
0x70: {  	_ =	shalt  }
0x71: {  	_ =	shalt  }
0x72: {  	_ =	shalt  }
0x73: {  	_ =	shalt  }
0x74: {  	_ =	shalt  }
0x75: {  	_ =	shalt  }
0x76: {  	_ =	shalt  }
0x77: {  	_ =	shalt  }
0x78: {  	_ =	shalt  }
0x79: {  	_ =	shalt  }
0x7a: {  	_ =	shalt  }
0x7b: {  	_ =	shalt  }
0x7c: {  	_ =	shalt  }
0x7d: {  	_ =	shalt  }
0x7e: {  	_ =	shalt  }
0x7f: {  	_ =	shalt  }
0x80: {  	_ =	shalt  }
0x81: {  	_ =	shalt  }
0x82: {  	_ =	shalt  }
0x83: {  	_ =	shalt  }
0x84: {  	_ =	shalt  }
0x85: {  	_ =	shalt  }
0x86: {  	_ =	shalt  }
0x87: {  	_ =	shalt  }
.Lfunc_end0:
.L_simem_size_0:
called_computation.1_lowered:
.L_overlay_start_0:
0x88: {  	s2 =	sld [smem:$0x3FD9]  }
0x89: {  	s3 =	sld [smem:$0x3FFE];
	_ =	sdelay $0x1  }
0x8a: {  	s1 =	srdreg.scid  }
0x8b: {  	s0 =	sand.u32 $0x1, s1  }
0x8c: {  	s17 =	sshll.u32 s0, $0xA;
	s2 =	sadd.s32 s3, s2  }
0x8d: {  	s2 =	sadd.s32 s2, s17  }
0x8e: {  	[smem:$0x3FBA] =	sst s2  }
0x8f: {  	_ = 	snop  }
0x90: {  	s2 =	sld [smem:$0x3FD0];
	(tm) =	ssettm $0x1  }
0x91: {  	s18 =	sld [smem:$0x3FFB];
	_ =	sdelay $0x3  }
0x92: {  	_ =	strace s18  }
0x93: {  	s3 =	sld [smem:$0x3FFC];
	_ =	sdelay $0x3  }
0x94: {  	_ =	strace s3  }
0x95: {  	s3 =	sld [smem:$0x3FFD];
	_ =	sdelay $0x3  }
0x96: {  	_ =	strace s3  }
0x97: {  	_ =	strace $0x8FFFFFFF  }
0x98: {  	s19 =	sld [smem:$0x3FDB];
	_ =	sdelay $0x1  }
0x99: {  	s4 =	simm.s32 $_scs_section_size  }
0x9a: {  	s5 =	simm.s32 $_size__tile_overlayer_lowered;
	s6 =	simm.s32 $_tile_overlayer_lowered  }
0x9b: {  	s22 =	simm.s32 $0x1BFF;
	s21 =	sshll.u32 s6, $0x1;
	s3 =	sadd.s32 s4, s19  }
0x9c: {  	s7 =	simm.s32 $0x0;
	s20 =	sshll.u32 s5, $0x1;
	s5 =	sadd.s32 s21, s3  }
0x9d: {  	[timem:s7], [sflag:s22] =	dma.local [hbm:s5], s20  }
0x9e: {  	_ =	swait.ge [sflag:s22], s20  }
0x9f: {  	s4 =	ssub.s32 $0x0, s20;
	[sflag:s22] =	ssyncset.done $0x0  }
0xa0: {  	[sflag:s22] =	ssyncadd.s32 s4;
	_ =	sdelay $0x1  }
0xa1: {  	s23 =	simm.s32 $0x1B8B  }
0xa2: {  	_ =	swait.ge [sflag:s23], $0x1  }
0xa3: {  	[sflag:s23] =	ssyncset.done $0x0  }
0xa4: {  	s25 =	simm.s32 $0x1B8E;
	s24 =	sld [smem:$0x3FFE];
	[sflag:s23] =	ssyncadd.s32 $0xFFFFFFFF  }
0xa5: {  	s26 =	simm.s32 $execute0_lowered;
	[smem:$0x3FD2] =	sst s25  }
0xa6: {  	s5 =	sshll.u32 s26, $0x1;
	_ =	strace $0x80000049;
	[dreg:$0x1] =	wrdreg $0xFFFFFFFF  }
0xa7: {  	s28 =	simm.s32 $_size_execute0_lowered;
	s3 =	sadd.s32 s3, s5;
	[dreg:$0x0] =	wrdreg $0x0  }
0xa8: {  	s5 =	sshll.u32 s28, $0x1;
	[dreg:$0x2] =	wrdreg s3  }
0xa9: {  	[dreg:$0x3] =	wrdreg s5  }
0xaa: {  	[dreg:$0x4] =	wrdreg $0xC0  }
0xab: {  	_ =	task [dreg:s7], $0x5FFFF  }
0xac: {  	[dreg:$0x1] =	wrdreg $0xFFFFFFFF  }
0xad: {  	[dreg:$0x0] =	wrdreg $0x60  }
0xae: {  	[dreg:$0x2] =	wrdreg s24  }
0xaf: {  	[dreg:$0x3] =	wrdreg s2  }
0xb0: {  	[dreg:$0x4] =	wrdreg $0xA8000  }
0xb1: {  	[dreg:$0x5] =	wrdreg $0x9  }
0xb2: {  	_ =	task.clear_ibuf [dreg:s7], $0x6FFFF;
	_ =	strace $0x90000049  }
0xb3: {  	s29 =	simm.s32 $0x9;
	_ =	strace $0x8000004B  }
0xb4: {  	_ =	swait.ge [sflag:s29], $0x1  }
0xb5: {  	[sflag:s29] =	ssyncadd.s32 $0xFFFFFFFF  }
0xb6: {  	_ =	strace $0x9000004B  }
0xb7: {  	_ =	sfence  }
0xb8: {  	s30 =	sld [smem:$0x0];
	_ =	sdelay $0x2  }
0xb9: {  	s31 =	sshll.u32 s1, $0xD;
	s1 =	sshrl.u32 s1, $0x2  }
0xba: {  	s3 =	sand.u32 $0x4000, s31;
	s1 =	sadd.s32 s1, s30  }
0xbb: {  	s0 =	sor.u32 s3, s0;
	s1 =	sshll.u32 s1, $0x11  }
0xbc: {  	s0 =	sor.u32 s1, s0  }
0xbd: {  	s0 =	sadd.s32 $0x8F2B, s0  }
0xbe: {  	[sflag:s0] =	ssyncadd.remote.s32 $0x1  }
0xbf: {  	_ =	sfence.sel $0xFFFF  }
0xc0: {  	[dreg:$0x0] =	wrdreg $0xFFFFFFFF;
	(pc) =	sbr.abs _section_cstart, $3  }
0xc1: {  	[dreg:$0x1] =	wrdreg $0xFFFFFFFF  }
0xc2: {  	_ =	task.clear_ibuf [dreg:s7], $0x2FFFF;
	_ =	strace $0x9FFFFFFF  }
0xc3: {  	(tm) =	ssettm $0x7FFFFFFF  }
tec
execute0_lowered:
.L_overlay_start_1:
0x0: {  	(tag) =	ssettag $0x1  }
0x1: {  	s0 =	rddreg [dreg:$0x0]  }
0x2: {  	s1 =	rddreg [dreg:$0x1]  }
0x3: {  	s2 =	rddreg [dreg:$0x2];
	s3 =	srdreg.scid  }
0x4: {  	s4 =	simm.s32 $0x0;
	s22 =	stileid.u32;
	s28 =	simm.s32 $0x9400  }
0x5: {  	s29 =	simm.s32 $0x1;
	s30 =	simm.s32 $0x28;
	s3 =	sand.u32 $0x1, s3  }
0x6: {  	s31 =	simm.s32 $0x2;
	[smem:$0x7FF] =	sst s4;
	s5 =	sshll.u32 s3, $0x4  }
0x7: {  	s6 =	smul.u32 $0x50000, s22;
	s13 =	ssub.s32 $0x2, s3;
	s7 =	sor.u32 s22, s5  }
0x8: {  	s8 =	sadd.s32 $0xEF1E00, s0;
	s10 =	sshrl.u32 s13, $0x1;
	s11 =	smul.u32 $0x138800, s7  }
0x9: {  	s15 =	sshll.u32 s22, $0x6;
	s12 =	ssub.s32 s13, s10;
	s13 =	smul.u32 $0x140000, s3  }
0xa: {  	_ =	strace $0x8000004A;
	s5 =	sshll.u32 s7, $0xC;
	s7 =	smul.u32 $0x27100, s7  }
0xb: {  	s14 =	sshrl.u32 s6, $0x2;
	s6 =	sor.u32 $0x1C03, s15;
	s3 =	smul.u32 $0x271000, s3  }
0xc: {  	s9 =	sadd.s32 s5, s0;
	s5 =	sadd.s32 s14, s2;
	s14 =	smul.u32 $0x14000, s22  }
0xd: {  	s0 =	sadd.s32 $0x2000, s0;
	s21 =	smax.u32 s12, $0x1;
	s22 =	smul.u32 $0x27100, s22  }
0xe: {  	s16 =	sshrl.u32 s11, $0x3;
	s9 =	sadd.s32 $0xED1E00, s9;
	[dreg:$0x8] =	wrdreg s21  }
0xf: {  	s7 =	sadd.s32 s8, s7;
	s11 =	sadd.s32 s3, s8;
	[dreg:$0x4] =	wrdreg s9  }
0x10: {  	s17 =	sadd.s32 s8, s16;
	s18 =	sadd.s32 s13, s14;
	[dreg:$0x5] =	wrdreg s7  }
0x11: {  	s16 =	sadd.s32 $0x4000, s5;
	s21 =	sadd.s32 $0x10000, s14;
	s19 =	sadd.s32 $0x280, s17  }
0x12: {  	s20 =	sshrl.u32 s18, $0x3;
	s17 =	sadd.s32 $0x8000, s14;
	s18 =	sadd.s32 $0xC000, s14  }
0x13: {  	s26 =	sadd.s32 s13, s21;
	[dreg:$0x6] =	wrdreg s19;
	s7 =	sadd.s32 s0, s20  }
0x14: {  	s19 =	sadd.s32 $0x8000, s5;
	s20 =	sadd.s32 $0xC000, s5;
	s24 =	sadd.s32 s13, s17  }
0x15: {  	s15 =	sadd.s32 s13, s18;
	s10 =	sshrl.u32 s26, $0x3;
	s26 =	sadd.s32 $0x10000, s5  }
0x16: {  	[dreg:$0x7] =	wrdreg s7;
	s7 =	sadd.s32 $0x4000, s14;
	s25 =	sshrl.u32 s15, $0x3  }
0x17: {  	s15 =	sadd.s32 s0, s10;
	s19 =	sshrl.u32 s19, $0x3;
	s20 =	sshrl.u32 s20, $0x3  }
0x18: {  	s23 =	sadd.s32 s13, s7;
	s14 =	sadd.s32 s0, s25;
	s7 =	sadd.s32 s7, s2  }
0x19: {  	s25 =	sadd.s32 s21, s2;
	s21 =	sshrl.u32 s26, $0x3;
	s26 =	simm.s32 $0x8000  }
0x1a: {  	s9 =	sshrl.u32 s23, $0x3;
	s23 =	sadd.s32 s17, s2;
	s17 =	simm.s32 $0x3  }
0x1b: {  	s25 =	sshrl.u32 s25, $0x3;
	s12 =	sadd.s32 s0, s9;
	s9 =	sshrl.u32 s24, $0x3  }
0x1c: {  	s24 =	sadd.s32 s18, s2;
	s18 =	sshrl.u32 s16, $0x3;
	s23 =	sshrl.u32 s23, $0x3  }
0x1d: {  	s13 =	sadd.s32 s0, s9;
	s0 =	sadd.s32 s22, s11;
	s22 =	sshrl.u32 s7, $0x3  }
0x1e: {  	s24 =	sshrl.u32 s24, $0x3;
	s9 =	sadd.s32 $0x780, s0;
	s0 =	simm.s32 $0x0  }
.LBB2_1:
0x1f: {  	s3 =	sshrl.u32 s5, $0x3  }
0x20: {  	[spmem:s3], [sflag:s6] =	dma.local [hbm:s1], $0x800  }
0x21: {  	_ =	swait.ge [sflag:s17], $0x800  }
0x22: {  	[sflag:s17] =	ssyncset.done $0x0  }
0x23: {  	[sflag:s17] =	ssyncadd.s32 $0xFFFFF800  }
0x24: {  	[spmem:s18], [sflag:s6] =	dma.local [hbm:s1], $0x800  }
0x25: {  	_ =	swait.ge [sflag:s17], $0x800  }
0x26: {  	[sflag:s17] =	ssyncset.done $0x0  }
0x27: {  	[sflag:s17] =	ssyncadd.s32 $0xFFFFF800  }
0x28: {  	[spmem:s19], [sflag:s6] =	dma.local [hbm:s1], $0x800  }
0x29: {  	_ =	swait.ge [sflag:s17], $0x800  }
0x2a: {  	[sflag:s17] =	ssyncset.done $0x0  }
0x2b: {  	[sflag:s17] =	ssyncadd.s32 $0xFFFFF800  }
0x2c: {  	[spmem:s20], [sflag:s6] =	dma.local [hbm:s1], $0x800  }
0x2d: {  	_ =	swait.ge [sflag:s17], $0x800  }
0x2e: {  	[sflag:s17] =	ssyncset.done $0x0  }
0x2f: {  	[sflag:s17] =	ssyncadd.s32 $0xFFFFF800  }
0x30: {  	[spmem:s21], [sflag:s6] =	dma.local [hbm:s1], $0x800  }
0x31: {  	_ =	swait.ge [sflag:s17], $0x800  }
0x32: {  	[sflag:s17] =	ssyncset.done $0x0  }
0x33: {  	s7 =	rddreg [dreg:$0x4];
	[sflag:s17] =	ssyncadd.s32 $0xFFFFF800  }
0x34: {  	[tilespmem:s4], [sflag:$0x3] =	stream.linear.gather [hbm4b:s7+s4], $0x7D00, $0x38;
	[tilespmem:$0x1E800] =	vst v63  }
0x35: {  	_ =	swait.ge [sflag:s17], $0x7D00  }
0x36: {  	[sflag:s17] =	ssyncset.done $0x0  }
0x37: {  	[sflag:s17] =	ssyncadd.s32 $0xFFFF8300  }
0x38: {  	[bflag:$0x0] =	sbarrier.arrive $0xFFFF  }
0x39: {  	s16 =	rddreg [dreg:$0x5]  }
0x3a: {  	[tilespmem:s26], [sflag:$0x1] =	stream.linear.gather [hbm4b:s16+s4], $0x1400, $0x38;
	[tilespmem:$0x1E800] =	vst v63  }
0x3b: {  	s8 =	rddreg [dreg:$0x6]  }
0x3c: {  	[tilespmem:s28], [sflag:$0x2] =	stream.linear.gather [hbm4b:s8+s4], $0x1400, $0x38;
	[tilespmem:$0x1E800] =	vst v63  }
0x3d: {  	_ =	swait.ge [sflag:s29], $0x1400  }
0x3e: {  	[sflag:s29] =	ssyncset.done $0x0  }
0x3f: {  	s10 =	simm.s32 $0x0;
	[sflag:s29] =	ssyncadd.s32 $0xFFFFEC00  }
0x40: {  	[spmem:s2] =	stream.indirect.scatter.add.f32 [tilespmem:s26], [sflag:$0x3], $0x80, s10, s30, $0xb8;
	[tilespmem:$0x1E800] =	vst v63  }
0x41: {  	_ =	swait.ge [sflag:s17], $0x1400  }
0x42: {  	[sflag:s17] =	ssyncset.done $0x0  }
0x43: {  	s11 =	sadd.s32 $0xFFFFFD80, s9;
	[sflag:s17] =	ssyncadd.s32 $0xFFFFEC00  }
0x44: {  	[tilespmem:s26], [sflag:$0x1] =	stream.linear.gather [hbm4b:s11+s4], $0x1400, $0x38;
	[tilespmem:$0x1E800] =	vst v63  }
0x45: {  	_ =	swait.ge [sflag:s31], $0x1400  }
0x46: {  	[sflag:s31] =	ssyncset.done $0x0  }
0x47: {  	s16 =	simm.s32 $0x80;
	[sflag:s31] =	ssyncadd.s32 $0xFFFFEC00  }
0x48: {  	[spmem:s2] =	stream.indirect.scatter.add.f32 [tilespmem:s28], [sflag:$0x3], $0x80, s16, s30, $0xb8;
	[tilespmem:$0x1E800] =	vst v63  }
0x49: {  	_ =	swait.ge [sflag:s17], $0x1400  }
0x4a: {  	s7 =	simm.s32 $0x400;
	[sflag:s17] =	ssyncset.done $0x0  }
0x4b: {  	s8 =	sadd.s32 $0x500, s9;
	s16 =	smov.u32 s9;
	[sflag:s17] =	ssyncadd.s32 $0xFFFFEC00  }
.LBB2_2:
0x4c: {  	[tilespmem:s28], [sflag:$0x2] =	stream.linear.gather [hbm4b:s16+s4], $0x1400, $0x38;
	[tilespmem:$0x1E800] =	vst v63  }
0x4d: {  	s10 =	smov.u32 s7;
	s16 =	smov.u32 s8  }
0x4e: {  	p0 =	sne.s32 s7, $0x1EC00;
	s7 =	sadd.s32 $0x400, s7;
	_ =	swait.ge [sflag:s29], $0x1400  }
0x4f: {  	[sflag:s29] =	ssyncset.done $0x0  }
0x50: {  	s10 =	sshra.s32 s10, $0x2;
	[sflag:s29] =	ssyncadd.s32 $0xFFFFEC00  }
0x51: {  	[spmem:s2] =	stream.indirect.scatter.add.f32 [tilespmem:s26], [sflag:$0x3], $0x80, s10, s30, $0xb8;
	[tilespmem:$0x1E800] =	vst v63  }
0x52: {  	_ =	swait.ge [sflag:s17], $0x1400  }
0x53: {  	[sflag:s17] =	ssyncset.done $0x0  }
0x54: {  	s11 =	sadd.s32 $0xFFFFFD80, s8;
	[sflag:s17] =	ssyncadd.s32 $0xFFFFEC00  }
0x55: {  	[tilespmem:s26], [sflag:$0x1] =	stream.linear.gather [hbm4b:s11+s4], $0x1400, $0x38;
	[tilespmem:$0x1E800] =	vst v63  }
0x56: {  	_ =	swait.ge [sflag:s31], $0x1400  }
0x57: {  	[sflag:s31] =	ssyncset.done $0x0  }
.Ltmp0:
0x58: {  	s10 =	sadd.s32 $0x80, s10;
	[sflag:s31] =	ssyncadd.s32 $0xFFFFEC00;
	(pc) =	sbr.rel @p0 .LBB2_2-.Ltmp0, $4  }
0x59: {  	[spmem:s2] =	stream.indirect.scatter.add.f32 [tilespmem:s28], [sflag:$0x3], $0x80, s10, s30, $0xb8;
	[tilespmem:$0x1E800] =	vst v63  }
0x5a: {  	_ =	swait.ge [sflag:s17], $0x1400  }
0x5b: {  	[sflag:s17] =	ssyncset.done $0x0  }
0x5c: {  	s8 =	sadd.s32 $0x500, s8;
	[sflag:s17] =	ssyncadd.s32 $0xFFFFEC00  }
0x5d: {  	[tilespmem:s28], [sflag:$0x2] =	stream.linear.gather [hbm4b:s16+s4], $0x1400, $0x38;
	[tilespmem:$0x1E800] =	vst v63  }
0x5e: {  	_ =	swait.ge [sflag:s29], $0x1400  }
0x5f: {  	[sflag:s29] =	ssyncset.done $0x0  }
0x60: {  	s7 =	simm.s32 $0x7C00;
	[sflag:s29] =	ssyncadd.s32 $0xFFFFEC00  }
0x61: {  	[spmem:s2] =	stream.indirect.scatter.add.f32 [tilespmem:s26], [sflag:$0x3], $0x80, s7, s30, $0xb8;
	[tilespmem:$0x1E800] =	vst v63  }
0x62: {  	_ =	swait.ge [sflag:s17], $0x1400  }
0x63: {  	[sflag:s17] =	ssyncset.done $0x0  }
0x64: {  	[sflag:s17] =	ssyncadd.s32 $0xFFFFEC00  }
0x65: {  	_ =	swait.ge [sflag:s31], $0x1400  }
0x66: {  	[sflag:s31] =	ssyncset.done $0x0  }
0x67: {  	s10 =	simm.s32 $0x7C80;
	[sflag:s31] =	ssyncadd.s32 $0xFFFFEC00  }
0x68: {  	[spmem:s2] =	stream.indirect.scatter.add.f32 [tilespmem:s28], [sflag:$0x3], $0x80, s10, s30, $0xb8;
	[tilespmem:$0x1E800] =	vst v63  }
0x69: {  	_ =	swait.ge [sflag:s17], $0x1400  }
0x6a: {  	[sflag:s17] =	ssyncset.done $0x0  }
0x6b: {  	[sflag:s17] =	ssyncadd.s32 $0xFFFFEC00  }
0x6c: {  	[bflag:$0x0] =	sbarrier.arrive $0xFFFF  }
0x6d: {  	s11 =	rddreg [dreg:$0x7]  }
0x6e: {  	[hbm:s11], [sflag:s6] =	dma.local [spmem:s3], $0x800  }
0x6f: {  	_ =	swait.ge [sflag:s17], $0x800  }
0x70: {  	[sflag:s17] =	ssyncset.done $0x0  }
0x71: {  	[sflag:s17] =	ssyncadd.s32 $0xFFFFF800  }
0x72: {  	[hbm:s12], [sflag:s6] =	dma.local [spmem:s22], $0x800  }
0x73: {  	_ =	swait.ge [sflag:s17], $0x800  }
0x74: {  	[sflag:s17] =	ssyncset.done $0x0  }
0x75: {  	[sflag:s17] =	ssyncadd.s32 $0xFFFFF800  }
0x76: {  	[hbm:s13], [sflag:s6] =	dma.local [spmem:s23], $0x800  }
0x77: {  	_ =	swait.ge [sflag:s17], $0x800  }
0x78: {  	[sflag:s17] =	ssyncset.done $0x0  }
0x79: {  	[sflag:s17] =	ssyncadd.s32 $0xFFFFF800  }
0x7a: {  	[hbm:s14], [sflag:s6] =	dma.local [spmem:s24], $0x800  }
0x7b: {  	_ =	swait.ge [sflag:s17], $0x800  }
0x7c: {  	[sflag:s17] =	ssyncset.done $0x0  }
0x7d: {  	[sflag:s17] =	ssyncadd.s32 $0xFFFFF800  }
0x7e: {  	[hbm:s15], [sflag:s6] =	dma.local [spmem:s25], $0x800  }
0x7f: {  	_ =	swait.ge [sflag:s17], $0x800  }
0x80: {  	s0 =	sadd.s32 $0x1, s0;
	s16 =	rddreg [dreg:$0x8]  }
0x81: {  	p0 =	sne.s32 s0, s16  }
.Ltmp1:
0x82: {  	_ = 	snop;
	(pc) =	sbr.rel @p0 .LBB2_1-.Ltmp1, $3  }
0x83: {  	_ =	sdelay $0x1  }
0x84: {  	[sflag:s17] =	ssyncset.done $0x0  }
0x85: {  	[sflag:s17] =	ssyncadd.s32 $0xFFFFF800  }
0x86: {  	_ =	sfence.sel $0x180000  }
0x87: {  	[bflag:$0x0] =	sbarrier.arrive $0xFFFF  }
0x88: {  	_ =	strace $0x9000004A  }
0x89: {  	s0 =	stileid.u32;
	[bflag:$0x2] =	sbarrier.arrive $0xFFFF  }
0x8a: {  	p0 =	sne.s32 s0, $0x0;
	s0 =	rddreg [dreg:$0x3]  }
0x8b: {  	s0 =	sadd.s32 @!p0 $0x100000, s0  }
0x8c: {  	[sflag:s0] =	ssyncadd.tile.s32 @!p0 $0x1;
	_ =	shalt  }
.Lfunc_end2:
_tile_overlayer_lowered:
.L_overlay_start_2:
0x8d: {  	(tag) =	ssettag $0x2  }
0x8e: {  	s0 =	rddreg [dreg:$0x0];
	s2 =	stileid.u32  }
0x8f: {  	s1 =	rddreg [dreg:$0x1];
	p0 =	sne.s32 s2, $0x0  }
0x90: {  	s3 =	rddreg [dreg:$0x2];
	[bflag:$0x3] =	sbarrier.arrive $0xFFFF;
	s2 =	simm.s32 @!p0 $0x1C03  }
0x91: {  	[timem:s3], [sflag:s2] =	dma.local @!p0 [hbm:s0], s1  }
0x92: {  	s0 =	simm.s32 @!p0 $0x3  }
0x93: {  	_ =	swait.ge @!p0 [sflag:s0], s1  }
0x94: {  	s1 =	ssub.s32 @!p0 $0x0, s1;
	[sflag:s0] =	ssyncset.done @!p0 $0x0  }
0x95: {  	[sflag:s0] =	ssyncadd.s32 @!p0 s1  }
0x96: {  	[bflag:$0x3] =	sbarrier.arrive $0xFFFF  }
0x97: {  	_ =	shalt  }

// kernel: kernel.7.cloned.1.call-start
scs
__scs_entry_jumppad:
0x0: {  	(pc) =	sbr.rel $0x88, $3  }
0x1: {  	(tag) =	ssettag $0x0;
	lr =	simm.s32 $0x1  }
0x2: {  	[smem:$0x3F93] =	sst lr;
	_ =	strace $0xD0000000  }
0x3: {  	_ = 	snop  }
0x4: {  	_ = 	snop  }
0x5: {  	_ = 	snop  }
0x6: {  	_ = 	snop  }
0x7: {  	_ = 	snop  }
__scs_overlays_trampoline_lowered:
0x8: {  	[smem:$0x3FA2] =	sst s0  }
0x9: {  	[smem:$0x3FA3] =	sst s1  }
0xa: {  	[smem:$0x3FA4] =	sst s2  }
0xb: {  	[smem:$0x3FA5] =	sst s3  }
0xc: {  	[smem:$0x3FA6] =	sst s4  }
0xd: {  	[smem:$0x3FA7] =	sst s5  }
0xe: {  	[smem:$0x3FA8] =	sst s6  }
0xf: {  	[smem:$0x3FA9] =	sst s7  }
0x10: {  	[smem:$0x3FAA] =	sst s8  }
0x11: {  	[smem:$0x3FAB] =	sst s9;
	s0 =	simm.s32 @!p0 $0x0  }
0x12: {  	s1 =	sld [smem:$0x3F91];
	s0 =	simm.s32 @p0 $0x1  }
0x13: {  	[smem:$0x3FAC] =	sst s0;
	s0 =	simm.s32 @!p1 $0x0  }
0x14: {  	s2 =	sld [smem:$0x3F90];
	s0 =	simm.s32 @p1 $0x1  }
0x15: {  	[smem:$0x3FAD] =	sst s0;
	s0 =	simm.s32 @!p2 $0x0  }
0x16: {  	s3 =	sld [smem:$0x3FDB];
	s0 =	simm.s32 @p2 $0x1  }
0x17: {  	s4 =	simm.s32 $0x1BF5;
	[smem:$0x3FAF] =	sst s0  }
0x18: {  	s0 =	sld [smem:$0x3F92];
	_ =	swait.ge [sflag:s4], $0x0  }
0x19: {  	s7 =	sld [smem:$0x3F93]  }
0x1a: {  	s8 =	sadd.s32 $0xFFFFE003, lr  }
0x1b: {  	s9 =	sadd.s32 $0xFFFFFEF7, lr;
	s5 =	simm.s32 $0xFFFFFFFF;
	p2 =	slt.u32 s8, $0xFFFFF086  }
0x1c: {  	p1 =	slt.u32 s9, $0xF7A;
	s5 =	simm.s32 @!p2 $0x0  }
0x1d: {  	s5 =	simm.s32 @p1 $0x1;
	p0 =	seq.s32 s7, s2  }
0x1e: {  	s7 =	smul.u32 @!p0 $0xF7A, s2;
	p2 =	seq.s32 @!p0 s5, $0x0  }
0x1f: {  	s9 =	smul.u32 $0xF7A, s1;
	s8 =	simm.s32 @!p0 $0x1BF5;
	p2 =	por !p2, p0  }
0x20: {  	[sflag:s8] =	ssyncset.s32 @!p0 $0xFFFFF086;
	s6 =	sadd.s32 @!p0 s3, s7;
	s7 =	simm.s32 @!p0 $0x108  }
0x21: {  	s3 =	sadd.s32 s3, s9;
	s6 =	sadd.s32 @!p0 $0x88, s6;
	s7 =	simm.s32 @p2 $0x1082  }
0x22: {  	[simem:s7], [sflag:s8] =	dma.local @!p0 [hbm:s6], $0xF7A  }
0x23: {  	s9 =	sor.u32 $0xD0000000, s2;
	s6 =	simm.s32 $0x108;
	_ =	swait.ge @!p0 [sflag:s8], $0x0  }
0x24: {  	s3 =	sadd.s32 $0x88, s3;
	s6 =	simm.s32 @!p1 $0x1082;
	[sflag:s4] =	ssyncset.s32 $0xFFFFF086  }
0x25: {  	[simem:s6], [sflag:s4] =	dma.local [hbm:s3], $0xF7A  }
0x26: {  	[smem:$0x3F93] =	sst s1;
	(tag) =	ssettag s2;
	_ =	strace s9  }
0x27: {  	s1 =	sld [smem:$0x3FA3]  }
0x28: {  	s2 =	sld [smem:$0x3FA4]  }
0x29: {  	s4 =	sld [smem:$0x3FA6]  }
0x2a: {  	p0 =	seq.s32 s5, $0x0;
	s5 =	sld [smem:$0x3FA7]  }
0x2b: {  	s6 =	sld [smem:$0x3FA8]  }
0x2c: {  	s7 =	sld [smem:$0x3FA9]  }
0x2d: {  	s3 =	simm.s32 $0x108;
	s8 =	sld [smem:$0x3FAA]  }
0x2e: {  	s3 =	simm.s32 @!p0 $0x1082;
	s9 =	sld [smem:$0x3FAB]  }
0x2f: {  	lr =	sadd.s32 s0, s3;
	s0 =	sld [smem:$0x3FA2]  }
0x30: {  	s3 =	sld [smem:$0x3FA5]  }
0x31: {  	[smem:$0x3FAE] =	sst s10  }
0x32: {  	s10 =	sld [smem:$0x3FAC];
	_ =	sdelay $0x3  }
0x33: {  	p0 =	seq.s32 s10, $0x1;
	s10 =	sld [smem:$0x3FAE];
	_ =	sdelay $0x3  }
0x34: {  	[smem:$0x3FAE] =	sst s10  }
0x35: {  	s10 =	sld [smem:$0x3FAD];
	_ =	sdelay $0x3  }
0x36: {  	p1 =	seq.s32 s10, $0x1;
	s10 =	sld [smem:$0x3FAE];
	_ =	sdelay $0x3  }
0x37: {  	[smem:$0x3FAE] =	sst s10  }
0x38: {  	s10 =	sld [smem:$0x3FAF]  }
0x39: {  	_ = 	snop;
	(pc) =	sbr.ind lr, $3  }
0x3a: {  	_ = 	snop  }
0x3b: {  	_ = 	snop  }
0x3c: {  	p2 =	seq.s32 s10, $0x1;
	s10 =	sld [smem:$0x3FAE]  }
0x3d: {  	_ =	shalt  }
0x3e: {  	_ =	shalt  }
0x3f: {  	_ =	shalt  }
0x40: {  	_ =	shalt  }
0x41: {  	_ =	shalt  }
0x42: {  	_ =	shalt  }
0x43: {  	_ =	shalt  }
0x44: {  	_ =	shalt  }
0x45: {  	_ =	shalt  }
0x46: {  	_ =	shalt  }
0x47: {  	_ =	shalt  }
0x48: {  	_ =	shalt  }
0x49: {  	_ =	shalt  }
0x4a: {  	_ =	shalt  }
0x4b: {  	_ =	shalt  }
0x4c: {  	_ =	shalt  }
0x4d: {  	_ =	shalt  }
0x4e: {  	_ =	shalt  }
0x4f: {  	_ =	shalt  }
0x50: {  	_ =	shalt  }
0x51: {  	_ =	shalt  }
0x52: {  	_ =	shalt  }
0x53: {  	_ =	shalt  }
0x54: {  	_ =	shalt  }
0x55: {  	_ =	shalt  }
0x56: {  	_ =	shalt  }
0x57: {  	_ =	shalt  }
0x58: {  	_ =	shalt  }
0x59: {  	_ =	shalt  }
0x5a: {  	_ =	shalt  }
0x5b: {  	_ =	shalt  }
0x5c: {  	_ =	shalt  }
0x5d: {  	_ =	shalt  }
0x5e: {  	_ =	shalt  }
0x5f: {  	_ =	shalt  }
0x60: {  	_ =	shalt  }
0x61: {  	_ =	shalt  }
0x62: {  	_ =	shalt  }
0x63: {  	_ =	shalt  }
0x64: {  	_ =	shalt  }
0x65: {  	_ =	shalt  }
0x66: {  	_ =	shalt  }
0x67: {  	_ =	shalt  }
0x68: {  	_ =	shalt  }
0x69: {  	_ =	shalt  }
0x6a: {  	_ =	shalt  }
0x6b: {  	_ =	shalt  }
0x6c: {  	_ =	shalt  }
0x6d: {  	_ =	shalt  }
0x6e: {  	_ =	shalt  }
0x6f: {  	_ =	shalt  }
0x70: {  	_ =	shalt  }
0x71: {  	_ =	shalt  }
0x72: {  	_ =	shalt  }
0x73: {  	_ =	shalt  }
0x74: {  	_ =	shalt  }
0x75: {  	_ =	shalt  }
0x76: {  	_ =	shalt  }
0x77: {  	_ =	shalt  }
0x78: {  	_ =	shalt  }
0x79: {  	_ =	shalt  }
0x7a: {  	_ =	shalt  }
0x7b: {  	_ =	shalt  }
0x7c: {  	_ =	shalt  }
0x7d: {  	_ =	shalt  }
0x7e: {  	_ =	shalt  }
0x7f: {  	_ =	shalt  }
0x80: {  	_ =	shalt  }
0x81: {  	_ =	shalt  }
0x82: {  	_ =	shalt  }
0x83: {  	_ =	shalt  }
0x84: {  	_ =	shalt  }
0x85: {  	_ =	shalt  }
0x86: {  	_ =	shalt  }
0x87: {  	_ =	shalt  }
.Lfunc_end0:
.L_simem_size_0:
called_computation_lowered:
.L_overlay_start_0:
0x88: {  	s2 =	sld [smem:$0x3FD9]  }
0x89: {  	s3 =	sld [smem:$0x3FFE];
	_ =	sdelay $0x1  }
0x8a: {  	s1 =	srdreg.scid  }
0x8b: {  	s0 =	sand.u32 $0x1, s1  }
0x8c: {  	s17 =	sshll.u32 s0, $0xA;
	s2 =	sadd.s32 s3, s2  }
0x8d: {  	s2 =	sadd.s32 s2, s17  }
0x8e: {  	[smem:$0x3FBA] =	sst s2  }
0x8f: {  	_ = 	snop  }
0x90: {  	s2 =	sld [smem:$0x3FD0];
	(tm) =	ssettm $0x1  }
0x91: {  	s18 =	sld [smem:$0x3FFB];
	_ =	sdelay $0x3  }
0x92: {  	_ =	strace s18  }
0x93: {  	s3 =	sld [smem:$0x3FFC];
	_ =	sdelay $0x3  }
0x94: {  	_ =	strace s3  }
0x95: {  	s3 =	sld [smem:$0x3FFD];
	_ =	sdelay $0x3  }
0x96: {  	_ =	strace s3  }
0x97: {  	_ =	strace $0x8FFFFFFF  }
0x98: {  	s19 =	sld [smem:$0x3FDB];
	_ =	sdelay $0x1  }
0x99: {  	s4 =	simm.s32 $_scs_section_size  }
0x9a: {  	s5 =	simm.s32 $_size__tile_overlayer_lowered;
	s6 =	simm.s32 $_tile_overlayer_lowered  }
0x9b: {  	s22 =	simm.s32 $0x1BFF;
	s21 =	sshll.u32 s6, $0x1;
	s3 =	sadd.s32 s4, s19  }
0x9c: {  	s7 =	simm.s32 $0x0;
	s20 =	sshll.u32 s5, $0x1;
	s5 =	sadd.s32 s21, s3  }
0x9d: {  	[timem:s7], [sflag:s22] =	dma.local [hbm:s5], s20  }
0x9e: {  	_ =	swait.ge [sflag:s22], s20  }
0x9f: {  	s4 =	ssub.s32 $0x0, s20;
	[sflag:s22] =	ssyncset.done $0x0  }
0xa0: {  	[sflag:s22] =	ssyncadd.s32 s4;
	_ =	sdelay $0x1  }
0xa1: {  	s23 =	simm.s32 $0x1B8B  }
0xa2: {  	_ =	swait.ge [sflag:s23], $0x1  }
0xa3: {  	[sflag:s23] =	ssyncset.done $0x0  }
0xa4: {  	s25 =	simm.s32 $0x1B8E;
	s24 =	sld [smem:$0x3FFE];
	[sflag:s23] =	ssyncadd.s32 $0xFFFFFFFF  }
0xa5: {  	s26 =	simm.s32 $execute0_lowered;
	[smem:$0x3FD2] =	sst s25  }
0xa6: {  	s5 =	sshll.u32 s26, $0x1;
	_ =	strace $0x80000046;
	[dreg:$0x1] =	wrdreg $0xFFFFFFFF  }
0xa7: {  	s28 =	simm.s32 $_size_execute0_lowered;
	s3 =	sadd.s32 s3, s5;
	[dreg:$0x0] =	wrdreg $0x0  }
0xa8: {  	s5 =	sshll.u32 s28, $0x1;
	[dreg:$0x2] =	wrdreg s3  }
0xa9: {  	[dreg:$0x3] =	wrdreg s5  }
0xaa: {  	[dreg:$0x4] =	wrdreg $0xC0  }
0xab: {  	_ =	task [dreg:s7], $0x5FFFF  }
0xac: {  	[dreg:$0x1] =	wrdreg $0xFFFFFFFF  }
0xad: {  	[dreg:$0x0] =	wrdreg $0x60  }
0xae: {  	[dreg:$0x2] =	wrdreg s2  }
0xaf: {  	[dreg:$0x3] =	wrdreg s24  }
0xb0: {  	[dreg:$0x4] =	wrdreg $0xA8000  }
0xb1: {  	[dreg:$0x5] =	wrdreg $0x9  }
0xb2: {  	_ =	task.clear_ibuf [dreg:s7], $0x6FFFF;
	_ =	strace $0x90000046  }
0xb3: {  	s29 =	simm.s32 $0x9;
	_ =	strace $0x80000048  }
0xb4: {  	_ =	swait.ge [sflag:s29], $0x1  }
0xb5: {  	[sflag:s29] =	ssyncadd.s32 $0xFFFFFFFF  }
0xb6: {  	_ =	strace $0x90000048  }
0xb7: {  	_ =	sfence  }
0xb8: {  	s30 =	sld [smem:$0x0];
	_ =	sdelay $0x2  }
0xb9: {  	s31 =	sshll.u32 s1, $0xD;
	s1 =	sshrl.u32 s1, $0x2  }
0xba: {  	s3 =	sand.u32 $0x4000, s31;
	s1 =	sadd.s32 s1, s30  }
0xbb: {  	s0 =	sor.u32 s3, s0;
	s1 =	sshll.u32 s1, $0x11  }
0xbc: {  	s0 =	sor.u32 s1, s0  }
0xbd: {  	s0 =	sadd.s32 $0x8F2B, s0  }
0xbe: {  	[sflag:s0] =	ssyncadd.remote.s32 $0x1  }
0xbf: {  	_ =	sfence.sel $0xFFFF  }
0xc0: {  	[dreg:$0x0] =	wrdreg $0xFFFFFFFF;
	(pc) =	sbr.abs _section_cstart, $3  }
0xc1: {  	[dreg:$0x1] =	wrdreg $0xFFFFFFFF  }
0xc2: {  	_ =	task.clear_ibuf [dreg:s7], $0x2FFFF;
	_ =	strace $0x9FFFFFFF  }
0xc3: {  	(tm) =	ssettm $0x7FFFFFFF  }
tec
execute0_lowered:
.L_overlay_start_1:
0x0: {  	(tag) =	ssettag $0x1  }
0x1: {  	s5 =	rddreg [dreg:$0x0]  }
0x2: {  	s4 =	rddreg [dreg:$0x1]  }
0x3: {  	s1 =	rddreg [dreg:$0x2]  }
0x4: {  	s2 =	srdreg.scid;
	s0 =	rddreg [dreg:$0x3]  }
0x5: {  	s3 =	simm.s32 $0x0;
	s15 =	simm.s32 $0x28;
	s16 =	simm.s32 $0x8000  }
0x6: {  	s17 =	simm.s32 $0x80;
	s18 =	simm.s32 $0x9400;
	s19 =	simm.s32 $0x1  }
0x7: {  	s20 =	simm.s32 $0x3;
	s7 =	sand.u32 $0x1, s2;
	s2 =	stileid.u32  }
0x8: {  	s21 =	simm.s32 $0x2;
	s22 =	simm.s32 $0x4;
	s9 =	smul.u32 $0x50000, s2  }
0x9: {  	s23 =	simm.s32 $0x0;
	[smem:$0x7FF] =	sst s3;
	s12 =	smul.u32 $0x2800, s2  }
0xa: {  	s10 =	sadd.s32 $0x2BE00, s4;
	s6 =	sshll.u32 s7, $0x4;
	s14 =	smul.u32 $0x271000, s7  }
0xb: {  	_ =	strace $0x80000047;
	s29 =	ssub.s32 $0x2, s7;
	s31 =	smul.u32 $0x27100, s2  }
0xc: {  	p0 =	seq.s32 s2, $0xF;
	s6 =	sor.u32 s2, s6;
	s11 =	sshrl.u32 s29, $0x1  }
0xd: {  	s8 =	sshll.u32 s6, $0xC;
	s9 =	sshrl.u32 s9, $0x2;
	s11 =	ssub.s32 s29, s11  }
0xe: {  	s30 =	smul.u32 $0x27100, s6;
	s8 =	sadd.s32 s8, s4;
	s13 =	sadd.s32 s9, s1  }
0xf: {  	s4 =	sadd.s32 s5, s12;
	s12 =	sadd.s32 $0x12C000, s1;
	s5 =	sadd.s32 $0x25800, s5  }
0x10: {  	s7 =	smax.u32 s11, $0x1;
	s6 =	sadd.s32 $0xBE00, s8;
	s9 =	sadd.s32 s10, s30  }
0x11: {  	s10 =	sadd.s32 s14, s10;
	s11 =	sshrl.u32 @p0 s12, $0x3;
	s12 =	sshll.u32 @!p0 s2, $0x6  }
0x12: {  	s13 =	sshrl.u32 @!p0 s13, $0x3;
	s14 =	simm.s32 $0x5;
	s8 =	sadd.s32 $0x26C00, s9  }
0x13: {  	s9 =	sadd.s32 $0x26E80, s9;
	s10 =	sadd.s32 s31, s10;
	s12 =	sor.u32 @!p0 $0x1C05, s12  }
.LBB2_1:
0x14: {  	s24 =	simm.s32 @p0 $0x1FC5  }
0x15: {  	[spmem:s11], [sflag:s24] =	dma.local @p0 [hbm:s5], $0x1900  }
0x16: {  	s24 =	simm.s32 @p0 $0x5  }
0x17: {  	_ =	swait.ge @p0 [sflag:s24], $0x1900  }
0x18: {  	[sflag:s24] =	ssyncset.done @p0 $0x0  }
0x19: {  	[sflag:s24] =	ssyncadd.s32 @p0 $0xFFFFE700;
	s24 =	simm.s32 @!p0 $0x5  }
0x1a: {  	[spmem:s13], [sflag:s12] =	dma.local @!p0 [hbm:s4], $0x2800  }
0x1b: {  	_ =	swait.ge @!p0 [sflag:s24], $0x2800  }
0x1c: {  	[sflag:s24] =	ssyncset.done @!p0 $0x0  }
0x1d: {  	[sflag:s24] =	ssyncadd.s32 @!p0 $0xFFFFD800  }
0x1e: {  	[tilespmem:s3], [sflag:$0x5] =	stream.linear.gather [hbm4b:s6+s3], $0x7D00, $0x38;
	[tilespmem:$0x1E800] =	vst v63  }
0x1f: {  	_ =	swait.ge [sflag:s14], $0x7D00  }
0x20: {  	[sflag:s14] =	ssyncset.done $0x0  }
0x21: {  	[sflag:s14] =	ssyncadd.s32 $0xFFFF8300  }
0x22: {  	[bflag:$0x0] =	sbarrier.arrive $0xFFFF  }
0x23: {  	[tilespmem:s16], [sflag:$0x1] =	stream.indirect.gather [spmem:s1], $0x80, s3, s15, $0xb8;
	[tilespmem:$0x1E800] =	vst v63  }
0x24: {  	_ = 	snop  }
0x25: {  	[tilespmem:s18], [sflag:$0x2] =	stream.indirect.gather [spmem:s1], $0x80, s17, s15, $0xb8;
	[tilespmem:$0x1E800] =	vst v63  }
0x26: {  	_ =	swait.ge [sflag:s19], $0x1400  }
0x27: {  	[sflag:s19] =	ssyncset.done $0x0  }
0x28: {  	s31 =	sadd.s32 $0x0, s10;
	[sflag:s19] =	ssyncadd.s32 $0xFFFFEC00  }
0x29: {  	[hbm4b:s31+s3] =	stream.linear.scatter [tilespmem:s16], [sflag:$0x3], $0x1400, $0x38;
	[tilespmem:$0x1E800] =	vst v63  }
0x2a: {  	_ =	swait.ge [sflag:s20], $0x1400  }
0x2b: {  	[sflag:s20] =	ssyncset.done $0x0  }
0x2c: {  	s25 =	simm.s32 $0x100;
	[sflag:s20] =	ssyncadd.s32 $0xFFFFEC00  }
0x2d: {  	[tilespmem:s16], [sflag:$0x1] =	stream.indirect.gather [spmem:s1], $0x80, s25, s15, $0xb8;
	[tilespmem:$0x1E800] =	vst v63  }
0x2e: {  	_ =	swait.ge [sflag:s21], $0x1400  }
0x2f: {  	[sflag:s21] =	ssyncset.done $0x0  }
0x30: {  	s24 =	sadd.s32 $0x280, s31;
	[sflag:s21] =	ssyncadd.s32 $0xFFFFEC00  }
0x31: {  	[hbm4b:s24+s3] =	stream.linear.scatter [tilespmem:s18], [sflag:$0x4], $0x1400, $0x38;
	[tilespmem:$0x1E800] =	vst v63  }
0x32: {  	_ =	swait.ge [sflag:s22], $0x1400  }
0x33: {  	s26 =	simm.s32 $0x280;
	[sflag:s22] =	ssyncset.done $0x0  }
0x34: {  	s25 =	simm.s32 $0x500;
	s24 =	simm.s32 $0x180;
	[sflag:s22] =	ssyncadd.s32 $0xFFFFEC00  }
.LBB2_2:
0x35: {  	[tilespmem:s18], [sflag:$0x2] =	stream.indirect.gather [spmem:s1], $0x80, s24, s15, $0xb8;
	[tilespmem:$0x1E800] =	vst v63  }
0x36: {  	s28 =	smov.u32 s25;
	s24 =	smov.u32 s26  }
0x37: {  	p1 =	sne.s32 s25, $0x26700;
	s25 =	sadd.s32 $0x500, s25;
	_ =	swait.ge [sflag:s19], $0x1400  }
0x38: {  	[sflag:s19] =	ssyncset.done $0x0  }
0x39: {  	s28 =	sadd.s32 s28, s10;
	[sflag:s19] =	ssyncadd.s32 $0xFFFFEC00  }
0x3a: {  	[hbm4b:s28+s3] =	stream.linear.scatter [tilespmem:s16], [sflag:$0x3], $0x1400, $0x38;
	[tilespmem:$0x1E800] =	vst v63  }
0x3b: {  	_ =	swait.ge [sflag:s20], $0x1400  }
0x3c: {  	[sflag:s20] =	ssyncset.done $0x0  }
0x3d: {  	s29 =	sadd.s32 $0xFFFFFF80, s26;
	[sflag:s20] =	ssyncadd.s32 $0xFFFFEC00  }
0x3e: {  	[tilespmem:s16], [sflag:$0x1] =	stream.indirect.gather [spmem:s1], $0x80, s29, s15, $0xb8;
	[tilespmem:$0x1E800] =	vst v63  }
0x3f: {  	_ =	swait.ge [sflag:s21], $0x1400  }
0x40: {  	[sflag:s21] =	ssyncset.done $0x0  }
.Ltmp0:
0x41: {  	s28 =	sadd.s32 $0x280, s28;
	[sflag:s21] =	ssyncadd.s32 $0xFFFFEC00;
	(pc) =	sbr.rel @p1 .LBB2_2-.Ltmp0, $4  }
0x42: {  	[hbm4b:s28+s3] =	stream.linear.scatter [tilespmem:s18], [sflag:$0x4], $0x1400, $0x38;
	[tilespmem:$0x1E800] =	vst v63  }
0x43: {  	_ =	swait.ge [sflag:s22], $0x1400  }
0x44: {  	[sflag:s22] =	ssyncset.done $0x0  }
0x45: {  	s26 =	sadd.s32 $0x100, s26;
	[sflag:s22] =	ssyncadd.s32 $0xFFFFEC00  }
0x46: {  	[tilespmem:s18], [sflag:$0x2] =	stream.indirect.gather [spmem:s1], $0x80, s24, s15, $0xb8;
	[tilespmem:$0x1E800] =	vst v63  }
0x47: {  	_ =	swait.ge [sflag:s19], $0x1400  }
0x48: {  	[sflag:s19] =	ssyncset.done $0x0  }
0x49: {  	[sflag:s19] =	ssyncadd.s32 $0xFFFFEC00  }
0x4a: {  	[hbm4b:s8+s3] =	stream.linear.scatter [tilespmem:s16], [sflag:$0x3], $0x1400, $0x38;
	[tilespmem:$0x1E800] =	vst v63  }
0x4b: {  	_ =	swait.ge [sflag:s20], $0x1400  }
0x4c: {  	[sflag:s20] =	ssyncset.done $0x0  }
0x4d: {  	[sflag:s20] =	ssyncadd.s32 $0xFFFFEC00  }
0x4e: {  	s23 =	sadd.s32 $0x1, s23;
	_ =	swait.ge [sflag:s21], $0x1400  }
0x4f: {  	p1 =	sne.s32 s23, s7;
	[sflag:s21] =	ssyncset.done $0x0  }
.Ltmp1:
0x50: {  	[sflag:s21] =	ssyncadd.s32 $0xFFFFEC00;
	(pc) =	sbr.rel @p1 .LBB2_1-.Ltmp1, $4  }
0x51: {  	[hbm4b:s9+s3] =	stream.linear.scatter [tilespmem:s18], [sflag:$0x4], $0x1400, $0x38;
	[tilespmem:$0x1E800] =	vst v63  }
0x52: {  	_ =	swait.ge [sflag:s22], $0x1400  }
0x53: {  	[sflag:s22] =	ssyncset.done $0x0  }
0x54: {  	[sflag:s22] =	ssyncadd.s32 $0xFFFFEC00  }
0x55: {  	_ =	sfence.sel $0x180000  }
0x56: {  	[bflag:$0x0] =	sbarrier.arrive $0xFFFF  }
0x57: {  	p0 =	sne.s32 s2, $0x0;
	_ =	strace $0x90000047  }
0x58: {  	s0 =	sadd.s32 @!p0 $0x100000, s0;
	[bflag:$0x2] =	sbarrier.arrive $0xFFFF  }
0x59: {  	[sflag:s0] =	ssyncadd.tile.s32 @!p0 $0x1;
	_ =	shalt  }
.Lfunc_end2:
_tile_overlayer_lowered:
.L_overlay_start_2:
0x5a: {  	(tag) =	ssettag $0x2  }
0x5b: {  	s0 =	rddreg [dreg:$0x0];
	s2 =	stileid.u32  }
0x5c: {  	s1 =	rddreg [dreg:$0x1];
	p0 =	sne.s32 s2, $0x0  }
0x5d: {  	s3 =	rddreg [dreg:$0x2];
	[bflag:$0x3] =	sbarrier.arrive $0xFFFF;
	s2 =	simm.s32 @!p0 $0x1C05  }
0x5e: {  	[timem:s3], [sflag:s2] =	dma.local @!p0 [hbm:s0], s1  }
0x5f: {  	s0 =	simm.s32 @!p0 $0x5  }
0x60: {  	_ =	swait.ge @!p0 [sflag:s0], s1  }
0x61: {  	s1 =	ssub.s32 @!p0 $0x0, s1;
	[sflag:s0] =	ssyncset.done @!p0 $0x0  }
0x62: {  	[sflag:s0] =	ssyncadd.s32 @!p0 s1  }
0x63: {  	[bflag:$0x3] =	sbarrier.arrive $0xFFFF  }
0x64: {  	_ =	shalt  }

</sc_bundles>
